<compile_context>
chip_gen: v7x
topology: tpu7x:2x2x1
jax: 0.10.2.dev20260603
libtpu: 0.0.44.dev20260713+nightly
codegen_flags: <defaults>
</compile_context>

<pallas_src>
import functools

import jax
import jax.numpy as jnp
from jax import lax
from jax.experimental import pallas as pl
from jax.experimental.pallas import tpu as pltpu
from jax.experimental.pallas import tpu_sc as plsc

DIM = 1024
HIDDEN = 512
E = 64
TOKENS = 2048
CAP = 36
PAD = 40
SLOT_LANES = 128
CHUNK = 256
NCHUNK = TOKENS // CHUNK
AUX_W = 0.01


def _router_body(x_ref, rwt_ref, rb_ref, xidx_ref, gates_ref, cmb_ref, aux_ref):
    f32 = jnp.float32
    xf = x_ref[...]
    logits = jnp.dot(xf, rwt_ref[...], preferred_element_type=f32) + rb_ref[...]
    m = jnp.max(logits, axis=1, keepdims=True)
    ex = jnp.exp(logits - m)
    s = jnp.sum(ex, axis=1, keepdims=True)
    probs = ex / s

    maxp = jnp.max(probs, axis=1, keepdims=True)
    gcol = maxp / (maxp + 1e-9)
    iot_e = lax.broadcasted_iota(jnp.int32, (TOKENS, E), 1).astype(f32)
    ecol = jnp.min(jnp.where(probs == maxp, iot_e, float(E)), axis=1, keepdims=True)

    diag = (lax.broadcasted_iota(jnp.int32, (CHUNK, CHUNK), 0)
            == lax.broadcasted_iota(jnp.int32, (CHUNK, CHUNK), 1)).astype(f32)
    g_rows, e_rows = [], []
    for c in range(NCHUNK):
        sl = slice(c * CHUNK, (c + 1) * CHUNK)
        g_rows.append(jnp.sum(diag * gcol[sl], axis=0, keepdims=True))
        e_rows.append(jnp.sum(diag * ecol[sl], axis=0, keepdims=True))
    g_row = jnp.concatenate(g_rows, axis=1)
    e_row = jnp.concatenate(e_rows, axis=1)
    t_row = lax.broadcasted_iota(jnp.int32, (1, TOKENS), 1).astype(f32)

    ranks = []
    for c in range(NCHUNK):
        sl = slice(c * CHUNK, (c + 1) * CHUNK)
        gseg = gcol[sl]
        eseg = ecol[sl]
        tcol = lax.broadcasted_iota(jnp.int32, (CHUNK, 1), 0).astype(f32) + float(c * CHUNK)
        same = e_row == eseg
        better = (g_row > gseg) | ((g_row == gseg) & (t_row < tcol))
        ranks.append(jnp.sum(jnp.where(same & better, 1.0, 0.0), axis=1,
                             keepdims=True))
    rank = jnp.concatenate(ranks, axis=0)
    kept = rank < float(CAP)

    p_t = jnp.where(lax.broadcasted_iota(jnp.int32, (E, TOKENS), 0).astype(f32) == e_row, 1.0, 0.0)
    iota_s = lax.broadcasted_iota(jnp.int32, (TOKENS, SLOT_LANES), 1).astype(f32)
    r_mat = jnp.where((rank == iota_s) & kept, 1.0, 0.0)
    tokcol = lax.broadcasted_iota(jnp.int32, (TOKENS, 1), 0).astype(f32)
    gates_tab = jnp.dot(p_t, r_mat * gcol, preferred_element_type=f32)
    gates_ref[...] = gates_tab
    table = jnp.dot(p_t, r_mat * tokcol, preferred_element_type=f32)
    spread = (lax.broadcasted_iota(jnp.int32, (E, SLOT_LANES), 0) * PAD
              + lax.broadcasted_iota(jnp.int32, (E, SLOT_LANES), 1)) & (TOKENS - 1)
    xidx_ref[...] = jnp.where(gates_tab > 0.0, table.astype(jnp.int32), spread)
    t_i = lax.broadcasted_iota(jnp.int32, (TOKENS, 1), 0)
    dump = (t_i & (E - 1)) * PAD + CAP + ((t_i >> 6) & 3)
    cmb_ref[...] = jnp.where(kept, (ecol * float(PAD) + rank).astype(jnp.int32),
                             dump)

    p_col = jnp.where(iot_e == ecol, 1.0, 0.0)
    counts = jnp.sum(p_col, axis=0, keepdims=True)
    meanp = jnp.sum(probs, axis=0, keepdims=True)
    aux_ref[...] = jnp.sum(counts * meanp, axis=1, keepdims=True) * (
        float(E) * AUX_W / float(TOKENS * TOKENS))


def _router_call(xflat, rwt, rb_row):
    return pl.pallas_call(
        _router_body,
        out_shape=[
            jax.ShapeDtypeStruct((E, SLOT_LANES), jnp.int32),
            jax.ShapeDtypeStruct((E, SLOT_LANES), jnp.float32),
            jax.ShapeDtypeStruct((TOKENS, 1), jnp.int32),
            jax.ShapeDtypeStruct((1, 1), jnp.float32),
        ],
    )(xflat, rwt, rb_row)


def _expert_body(xg_ref, g_ref, w1_ref, b1_ref, w2_ref, b2_ref, y_ref):
    f32 = jnp.float32
    xin = xg_ref[0]
    h = lax.dot_general(xin, w1_ref[0], (((1,), (1,)), ((), ())),
                        preferred_element_type=f32)
    h = h + b1_ref[0]
    h = h * 0.5 * (1.0 + lax.erf(h * (2.0 ** -0.5)))
    y = lax.dot_general(h, w2_ref[0], (((1,), (1,)), ((), ())),
                        preferred_element_type=f32)
    y_ref[0] = (y + b2_ref[0]) * g_ref[0]


def _expert_body_chained(y_prev_ref, xg_ref, g_ref, w1_ref, b1_ref, w2_ref,
                         b2_ref, y_ref):
    del y_prev_ref
    _expert_body(xg_ref, g_ref, w1_ref, b1_ref, w2_ref, b2_ref, y_ref)


def _experts_half(xg_half, gates3, w1, b1, w2, b2, off, y_prev):
    ne = E // 2
    w_specs = [
        pl.BlockSpec((1, PAD, 1), lambda e: (e + off, 0, 0)),
        pl.BlockSpec((1, HIDDEN, DIM), lambda e: (e + off, 0, 0)),
        pl.BlockSpec((1, 1, HIDDEN), lambda e: (e + off, 0, 0)),
        pl.BlockSpec((1, DIM, HIDDEN), lambda e: (e + off, 0, 0)),
        pl.BlockSpec((1, 1, DIM), lambda e: (e + off, 0, 0)),
    ]
    xg_spec = pl.BlockSpec((1, PAD, DIM), lambda e: (e, 0, 0))
    out_spec = pl.BlockSpec((1, PAD, DIM), lambda e: (e + off, 0, 0))
    out_shape = jax.ShapeDtypeStruct((E, PAD, DIM), jnp.float32)
    params = pltpu.CompilerParams(dimension_semantics=("parallel",))
    if y_prev is None:
        return pl.pallas_call(
            _expert_body, grid=(ne,), in_specs=[xg_spec] + w_specs,
            out_specs=out_spec, out_shape=out_shape, compiler_params=params,
        )(xg_half, gates3, w1, b1, w2, b2)
    return pl.pallas_call(
        _expert_body_chained, grid=(ne,),
        in_specs=[pl.BlockSpec(memory_space=pl.ANY), xg_spec] + w_specs,
        out_specs=out_spec, out_shape=out_shape, compiler_params=params,
        input_output_aliases={0: 0},
    )(y_prev, xg_half, gates3, w1, b1, w2, b2)


def _sc_gather(table, idx, out_rows, d):
    info = plsc.get_sparse_core_info()
    nc, ns = info.num_cores, info.num_subcores
    nw = nc * ns
    bpw = out_rows // nw
    mesh = plsc.VectorSubcoreMesh(core_axis_name="c", subcore_axis_name="s")

    @functools.partial(
        pl.kernel, mesh=mesh,
        out_type=jax.ShapeDtypeStruct((out_rows, d), jnp.float32),
        scratch_types=[
            pltpu.VMEM((bpw,), jnp.int32),
            pltpu.VMEM((bpw, d), jnp.float32),
            pltpu.SemaphoreType.DMA,
        ],
    )
    def k(table_hbm, idx_hbm, out_hbm, idx_v, rows_v, sem):
        wid = lax.axis_index("s") * nc + lax.axis_index("c")
        base = wid * bpw
        pltpu.sync_copy(idx_hbm.at[pl.ds(base, bpw)], idx_v)
        pltpu.async_copy(table_hbm.at[idx_v], rows_v, sem).wait()
        pltpu.sync_copy(rows_v, out_hbm.at[pl.ds(base, bpw)])

    return k(table, idx)


def kernel(x, router_w, router_b, w1, b1, w2, b2):
    b, n, d = x.shape
    flat = x.reshape(TOKENS, DIM)
    xidx_i, gates_tab, cmb, aux = _router_call(
        flat, router_w.T, router_b.reshape(1, E))
    gates3 = gates_tab[:, :PAD].reshape(E, PAD, 1)
    cmb_flat = cmb.reshape(TOKENS)
    xidx = xidx_i[:, :PAD].reshape(E * PAD)
    half = E * PAD // 2
    b1r, b2r = b1.reshape(E, 1, HIDDEN), b2.reshape(E, 1, DIM)
    xga = _sc_gather(flat, xidx[:half], half, DIM).reshape(E // 2, PAD, DIM)
    xgb = _sc_gather(flat, xidx[half:], half, DIM).reshape(E // 2, PAD, DIM)
    y_a = _experts_half(xga, gates3, w1, b1r, w2, b2r, 0, None)
    y_all = _experts_half(xgb, gates3, w1, b1r, w2, b2r, E // 2, y_a)
    out_flat = _sc_gather(y_all.reshape(E * PAD, DIM), cmb_flat, TOKENS, DIM)
    return out_flat.reshape(b, n, d), aux[0, 0]

# --- scband reference (transcript-rebuilt; emitter-appended) ---
"""Pipeline reference for scband-sparse-mo-efeed-forward-31602369364365 (READ-ONLY COPY).

The authoritative reference and input builder live on the scoring server;
editing this copy changes nothing except your own understanding.
"""

import math
import jax, jax.numpy as jnp
import numpy as np

DIM = 1024
HIDDEN = 512
E = 64
TOPK = 1
CAP_FACTOR = 1.1
AUX_W = 0.01
B = 1
N = 2048


def setup_inputs(seed: int = 0) -> dict:
    key = jax.random.key(seed)
    ks = jax.random.split(key, 8)
    x = jax.random.normal(ks[0], (B, N, DIM), dtype=jnp.float32)
    router_w = jax.random.normal(ks[1], (E, DIM), dtype=jnp.float32) * (1.0 / math.sqrt(DIM))
    router_b = jnp.zeros((E,), dtype=jnp.float32)
    w1 = jax.random.normal(ks[2], (E, HIDDEN, DIM), dtype=jnp.float32) * (1.0 / math.sqrt(DIM))
    b1 = jnp.zeros((E, HIDDEN), dtype=jnp.float32)
    w2 = jax.random.normal(ks[3], (E, DIM, HIDDEN), dtype=jnp.float32) * (1.0 / math.sqrt(HIDDEN))
    b2 = jnp.zeros((E, DIM), dtype=jnp.float32)
    return {"x": x, "router_w": router_w, "router_b": router_b, "w1": w1, "b1": b1, "w2": w2, "b2": b2}


def reference(x, router_w, router_b, w1, b1, w2, b2):
    b, n, d = x.shape
    tokens = b * n
    flat = x.reshape(tokens, d)
    # router
    logits = flat @ router_w.T + router_b
    probs = jax.nn.softmax(logits.astype(jnp.float32), axis=-1)
    topk_vals, topk_idx = jax.lax.top_k(probs, TOPK)
    topk_vals = topk_vals / (jnp.sum(topk_vals, axis=-1, keepdims=True) + 1e-9)
    capacity = max(1, int(math.ceil(CAP_FACTOR * (TOPK * tokens) / E)))
    output = jnp.zeros((tokens, d), dtype=jnp.float32)
    for e in range(E):
        mask = topk_idx == e  # (tokens, TOPK)
        # invalid slots get -1.0 (probs are always > 0, so no tie)
        gate_flat = jnp.where(mask, topk_vals, -1.0).reshape(-1)
        # select up to `capacity` highest-gate assignments for this expert
        sel_gate, sel_pos = jax.lax.top_k(gate_flat, capacity)
        valid = sel_gate >= 0.0
        tok_idx = jnp.where(valid, sel_pos // TOPK, 0)
        xin = jnp.take(flat, tok_idx, axis=0)  # gather tokens (capacity, d)
        h = jax.nn.gelu(xin @ w1[e].T + b1[e], approximate=False)
        yout = h @ w2[e].T + b2[e]
        gw = jnp.where(valid, sel_gate, 0.0)
        output = output.at[tok_idx].add(yout * gw[:, None])  # scatter-add
    # load-balancing aux loss
    expert_mask = jax.nn.one_hot(topk_idx, E, dtype=jnp.float32)  # (tokens, TOPK, E)
    tokens_per_expert = expert_mask.mean(axis=0)  # (TOPK, E)
    router_prob_per_expert = probs.mean(axis=0)  # (E,)
    balancing = jnp.sum(tokens_per_expert * router_prob_per_expert[None, :]) * E
    aux_loss = balancing * AUX_W
    out = output.reshape(b, n, d)
    return out, aux_loss

if __name__ == "__main__":
    import jax
    _d = setup_inputs()
    print(jax.jit(kernel)(*tuple(_d.values())))

</pallas_src>

<mosaic_0001>
#map = affine_map<(d0, d1) -> (0, 0)>
#map1 = affine_map<(d0, d1) -> (0)>
module attributes {stable_mosaic.version = 14 : i64} {
  func.func @k(%arg0: i32, %arg1: i32, %arg2: memref<2048x1024xf32, #tpu.memory_space<hbm>>, %arg3: memref<1280xi32, #tpu.memory_space<hbm>>, %arg4: memref<1280x1024xf32, #tpu.memory_space<hbm>>, %arg5: memref<40xi32, #tpu.memory_space<vmem>>, %arg6: memref<40x1024xf32, #tpu.memory_space<vmem>>, %arg7: memref<!tpu.dma_semaphore, #tpu.memory_space<semaphore_mem>>) attributes {dimension_semantics = [#tpu.dimension_semantics<core_parallel>, #tpu.dimension_semantics<subcore_parallel>], iteration_bounds = array<i64: 2, 16>, scalar_prefetch = 0 : i64, scratch_operands = 3 : i64, tpu.core_type = #tpu.core_type<sc_vector_subcore>, window_params = [{transform_indices = #map}, {transform_indices = #map1}, {transform_indices = #map}]} {
    %mul3A = arith.constant 2 : i32
    %mul3A_0 = arith.muli %arg1, %mul3A : i32
    %add3A = arith.addi %mul3A_0, %arg0 : i32
    %mul3A_1 = arith.constant 40 : i32
    %mul3A_2 = arith.muli %add3A, %mul3A_1 : i32
    "tpu.region"() ({
      %run_scoped3A = tpu.sem_alloc : memref<!tpu.dma_semaphore, #tpu.memory_space<semaphore_mem>>
      %dma_start3A_7 = tpu.memref_slice %arg3[%mul3A_2] : memref<1280xi32, #tpu.memory_space<hbm>> -> memref<40xi32, #tpu.memory_space<hbm>>
      %dma_start3A_8 = tpu.memref_slice %arg3[%mul3A_2] : memref<1280xi32, #tpu.memory_space<hbm>> -> memref<40xi32, #tpu.memory_space<hbm>>
      tpu.enqueue_dma source(%dma_start3A_8 : memref<40xi32, #tpu.memory_space<hbm>>) target(%arg5 : memref<40xi32, #tpu.memory_space<vmem>>) target_semaphore(%run_scoped3A : memref<!tpu.dma_semaphore, #tpu.memory_space<semaphore_mem>>)
      %dma_wait3A_9 = tpu.memref_slice %arg3[%mul3A_2] : memref<1280xi32, #tpu.memory_space<hbm>> -> memref<40xi32, #tpu.memory_space<hbm>>
      %dma_wait3A_10 = tpu.memref_slice %arg3[%mul3A_2] : memref<1280xi32, #tpu.memory_space<hbm>> -> memref<40xi32, #tpu.memory_space<hbm>>
      tpu.wait_dma2 semaphore(%run_scoped3A : memref<!tpu.dma_semaphore, #tpu.memory_space<semaphore_mem>>) src(%dma_wait3A_10 : memref<40xi32, #tpu.memory_space<hbm>>) dst(%arg5 : memref<40xi32, #tpu.memory_space<vmem>>)
      tpu.yield
    }) : () -> ()
    %dma_start3A = arith.constant 0 : i32
    %dma_start3A_3 = arith.constant 0 : i32
    %dma_start3A_4 = tpu.memref_slice %arg2[%dma_start3A, %dma_start3A_3] : memref<2048x1024xf32, #tpu.memory_space<hbm>> -> memref<2048x1024xf32, #tpu.memory_space<hbm>>
    tpu.enqueue_indirect_dma source(%dma_start3A_4 : memref<2048x1024xf32, #tpu.memory_space<hbm>>) target(%arg6 : memref<40x1024xf32, #tpu.memory_space<vmem>>) offsets(%arg5 : memref<40xi32, #tpu.memory_space<vmem>>) semaphore(%arg7 : memref<!tpu.dma_semaphore, #tpu.memory_space<semaphore_mem>>)
    %dma_wait3A = arith.constant 0 : i32
    %dma_wait3A_5 = arith.constant 0 : i32
    %dma_wait3A_6 = tpu.memref_slice %arg2[%dma_wait3A, %dma_wait3A_5] : memref<2048x1024xf32, #tpu.memory_space<hbm>> -> memref<2048x1024xf32, #tpu.memory_space<hbm>>
    tpu.wait_indirect_dma semaphore(%arg7 : memref<!tpu.dma_semaphore, #tpu.memory_space<semaphore_mem>>) src(%dma_wait3A_6 : memref<2048x1024xf32, #tpu.memory_space<hbm>>) dst(%arg6 : memref<40x1024xf32, #tpu.memory_space<vmem>>)
    "tpu.region"() ({
      %run_scoped3A = tpu.sem_alloc : memref<!tpu.dma_semaphore, #tpu.memory_space<semaphore_mem>>
      %dma_start3A_7 = arith.constant 0 : i32
      %dma_start3A_8 = tpu.memref_slice %arg4[%mul3A_2, %dma_start3A_7] : memref<1280x1024xf32, #tpu.memory_space<hbm>> -> memref<40x1024xf32, #tpu.memory_space<hbm>>
      %dma_start3A_9 = arith.constant 0 : i32
      %dma_start3A_10 = tpu.memref_slice %arg4[%mul3A_2, %dma_start3A_9] : memref<1280x1024xf32, #tpu.memory_space<hbm>> -> memref<40x1024xf32, #tpu.memory_space<hbm>>
      tpu.enqueue_dma source(%arg6 : memref<40x1024xf32, #tpu.memory_space<vmem>>) target(%dma_start3A_10 : memref<40x1024xf32, #tpu.memory_space<hbm>>) target_semaphore(%run_scoped3A : memref<!tpu.dma_semaphore, #tpu.memory_space<semaphore_mem>>)
      %dma_wait3A_11 = arith.constant 0 : i32
      %dma_wait3A_12 = tpu.memref_slice %arg4[%mul3A_2, %dma_wait3A_11] : memref<1280x1024xf32, #tpu.memory_space<hbm>> -> memref<40x1024xf32, #tpu.memory_space<hbm>>
      %dma_wait3A_13 = arith.constant 0 : i32
      %dma_wait3A_14 = tpu.memref_slice %arg4[%mul3A_2, %dma_wait3A_13] : memref<1280x1024xf32, #tpu.memory_space<hbm>> -> memref<40x1024xf32, #tpu.memory_space<hbm>>
      tpu.wait_dma2 semaphore(%run_scoped3A : memref<!tpu.dma_semaphore, #tpu.memory_space<semaphore_mem>>) src(%arg6 : memref<40x1024xf32, #tpu.memory_space<vmem>>) dst(%dma_wait3A_14 : memref<40x1024xf32, #tpu.memory_space<hbm>>)
      tpu.yield
    }) : () -> ()
    return
  }
}

#map = affine_map<(d0, d1) -> (0, 0)>
#map1 = affine_map<(d0, d1) -> (0)>
module attributes {stable_mosaic.version = 14 : i64} {
  func.func @k(%arg0: i32, %arg1: i32, %arg2: memref<2048x1024xf32, #tpu.memory_space<hbm>>, %arg3: memref<1280xi32, #tpu.memory_space<hbm>>, %arg4: memref<1280x1024xf32, #tpu.memory_space<hbm>>, %arg5: memref<40xi32, #tpu.memory_space<vmem>>, %arg6: memref<40x1024xf32, #tpu.memory_space<vmem>>, %arg7: memref<!tpu.dma_semaphore, #tpu.memory_space<semaphore_mem>>) attributes {dimension_semantics = [#tpu.dimension_semantics<core_parallel>, #tpu.dimension_semantics<subcore_parallel>], iteration_bounds = array<i64: 2, 16>, scalar_prefetch = 0 : i64, scratch_operands = 3 : i64, tpu.core_type = #tpu.core_type<sc_vector_subcore>, window_params = [{transform_indices = #map}, {transform_indices = #map1}, {transform_indices = #map}]} {
    %mul3A = arith.constant 2 : i32
    %mul3A_0 = arith.muli %arg1, %mul3A : i32
    %add3A = arith.addi %mul3A_0, %arg0 : i32
    %mul3A_1 = arith.constant 40 : i32
    %mul3A_2 = arith.muli %add3A, %mul3A_1 : i32
    "tpu.region"() ({
      %run_scoped3A = tpu.sem_alloc : memref<!tpu.dma_semaphore, #tpu.memory_space<semaphore_mem>>
      %dma_start3A_7 = tpu.memref_slice %arg3[%mul3A_2] : memref<1280xi32, #tpu.memory_space<hbm>> -> memref<40xi32, #tpu.memory_space<hbm>>
      %dma_start3A_8 = tpu.memref_slice %arg3[%mul3A_2] : memref<1280xi32, #tpu.memory_space<hbm>> -> memref<40xi32, #tpu.memory_space<hbm>>
      tpu.enqueue_dma source(%dma_start3A_8 : memref<40xi32, #tpu.memory_space<hbm>>) target(%arg5 : memref<40xi32, #tpu.memory_space<vmem>>) target_semaphore(%run_scoped3A : memref<!tpu.dma_semaphore, #tpu.memory_space<semaphore_mem>>)
      %dma_wait3A_9 = tpu.memref_slice %arg3[%mul3A_2] : memref<1280xi32, #tpu.memory_space<hbm>> -> memref<40xi32, #tpu.memory_space<hbm>>
      %dma_wait3A_10 = tpu.memref_slice %arg3[%mul3A_2] : memref<1280xi32, #tpu.memory_space<hbm>> -> memref<40xi32, #tpu.memory_space<hbm>>
      tpu.wait_dma2 semaphore(%run_scoped3A : memref<!tpu.dma_semaphore, #tpu.memory_space<semaphore_mem>>) src(%dma_wait3A_10 : memref<40xi32, #tpu.memory_space<hbm>>) dst(%arg5 : memref<40xi32, #tpu.memory_space<vmem>>)
      tpu.yield
    }) : () -> ()
    %dma_start3A = arith.constant 0 : i32
    %dma_start3A_3 = arith.constant 0 : i32
    %dma_start3A_4 = tpu.memref_slice %arg2[%dma_start3A, %dma_start3A_3] : memref<2048x1024xf32, #tpu.memory_space<hbm>> -> memref<2048x1024xf32, #tpu.memory_space<hbm>>
    tpu.enqueue_indirect_dma source(%dma_start3A_4 : memref<2048x1024xf32, #tpu.memory_space<hbm>>) target(%arg6 : memref<40x1024xf32, #tpu.memory_space<vmem>>) offsets(%arg5 : memref<40xi32, #tpu.memory_space<vmem>>) semaphore(%arg7 : memref<!tpu.dma_semaphore, #tpu.memory_space<semaphore_mem>>)
    %dma_wait3A = arith.constant 0 : i32
    %dma_wait3A_5 = arith.constant 0 : i32
    %dma_wait3A_6 = tpu.memref_slice %arg2[%dma_wait3A, %dma_wait3A_5] : memref<2048x1024xf32, #tpu.memory_space<hbm>> -> memref<2048x1024xf32, #tpu.memory_space<hbm>>
    tpu.wait_indirect_dma semaphore(%arg7 : memref<!tpu.dma_semaphore, #tpu.memory_space<semaphore_mem>>) src(%dma_wait3A_6 : memref<2048x1024xf32, #tpu.memory_space<hbm>>) dst(%arg6 : memref<40x1024xf32, #tpu.memory_space<vmem>>)
    "tpu.region"() ({
      %run_scoped3A = tpu.sem_alloc : memref<!tpu.dma_semaphore, #tpu.memory_space<semaphore_mem>>
      %dma_start3A_7 = arith.constant 0 : i32
      %dma_start3A_8 = tpu.memref_slice %arg4[%mul3A_2, %dma_start3A_7] : memref<1280x1024xf32, #tpu.memory_space<hbm>> -> memref<40x1024xf32, #tpu.memory_space<hbm>>
      %dma_start3A_9 = arith.constant 0 : i32
      %dma_start3A_10 = tpu.memref_slice %arg4[%mul3A_2, %dma_start3A_9] : memref<1280x1024xf32, #tpu.memory_space<hbm>> -> memref<40x1024xf32, #tpu.memory_space<hbm>>
      tpu.enqueue_dma source(%arg6 : memref<40x1024xf32, #tpu.memory_space<vmem>>) target(%dma_start3A_10 : memref<40x1024xf32, #tpu.memory_space<hbm>>) target_semaphore(%run_scoped3A : memref<!tpu.dma_semaphore, #tpu.memory_space<semaphore_mem>>)
      %dma_wait3A_11 = arith.constant 0 : i32
      %dma_wait3A_12 = tpu.memref_slice %arg4[%mul3A_2, %dma_wait3A_11] : memref<1280x1024xf32, #tpu.memory_space<hbm>> -> memref<40x1024xf32, #tpu.memory_space<hbm>>
      %dma_wait3A_13 = arith.constant 0 : i32
      %dma_wait3A_14 = tpu.memref_slice %arg4[%mul3A_2, %dma_wait3A_13] : memref<1280x1024xf32, #tpu.memory_space<hbm>> -> memref<40x1024xf32, #tpu.memory_space<hbm>>
      tpu.wait_dma2 semaphore(%run_scoped3A : memref<!tpu.dma_semaphore, #tpu.memory_space<semaphore_mem>>) src(%arg6 : memref<40x1024xf32, #tpu.memory_space<vmem>>) dst(%dma_wait3A_14 : memref<40x1024xf32, #tpu.memory_space<hbm>>)
      tpu.yield
    }) : () -> ()
    return
  }
}

#map = affine_map<(d0, d1) -> (0, 0)>
#map1 = affine_map<(d0, d1) -> (0)>
module attributes {stable_mosaic.version = 14 : i64} {
  func.func @k(%arg0: i32, %arg1: i32, %arg2: memref<2560x1024xf32, #tpu.memory_space<hbm>>, %arg3: memref<2048xi32, #tpu.memory_space<hbm>>, %arg4: memref<2048x1024xf32, #tpu.memory_space<hbm>>, %arg5: memref<64xi32, #tpu.memory_space<vmem>>, %arg6: memref<64x1024xf32, #tpu.memory_space<vmem>>, %arg7: memref<!tpu.dma_semaphore, #tpu.memory_space<semaphore_mem>>) attributes {dimension_semantics = [#tpu.dimension_semantics<core_parallel>, #tpu.dimension_semantics<subcore_parallel>], iteration_bounds = array<i64: 2, 16>, scalar_prefetch = 0 : i64, scratch_operands = 3 : i64, tpu.core_type = #tpu.core_type<sc_vector_subcore>, window_params = [{transform_indices = #map}, {transform_indices = #map1}, {transform_indices = #map}]} {
    %mul3A = arith.constant 2 : i32
    %mul3A_0 = arith.muli %arg1, %mul3A : i32
    %add3A = arith.addi %mul3A_0, %arg0 : i32
    %mul3A_1 = arith.constant 64 : i32
    %mul3A_2 = arith.muli %add3A, %mul3A_1 : i32
    "tpu.region"() ({
      %run_scoped3A = tpu.sem_alloc : memref<!tpu.dma_semaphore, #tpu.memory_space<semaphore_mem>>
      %dma_start3A_7 = tpu.memref_slice %arg3[%mul3A_2] : memref<2048xi32, #tpu.memory_space<hbm>> -> memref<64xi32, #tpu.memory_space<hbm>>
      %dma_start3A_8 = tpu.memref_slice %arg3[%mul3A_2] : memref<2048xi32, #tpu.memory_space<hbm>> -> memref<64xi32, #tpu.memory_space<hbm>>
      tpu.enqueue_dma source(%dma_start3A_8 : memref<64xi32, #tpu.memory_space<hbm>>) target(%arg5 : memref<64xi32, #tpu.memory_space<vmem>>) target_semaphore(%run_scoped3A : memref<!tpu.dma_semaphore, #tpu.memory_space<semaphore_mem>>)
      %dma_wait3A_9 = tpu.memref_slice %arg3[%mul3A_2] : memref<2048xi32, #tpu.memory_space<hbm>> -> memref<64xi32, #tpu.memory_space<hbm>>
      %dma_wait3A_10 = tpu.memref_slice %arg3[%mul3A_2] : memref<2048xi32, #tpu.memory_space<hbm>> -> memref<64xi32, #tpu.memory_space<hbm>>
      tpu.wait_dma2 semaphore(%run_scoped3A : memref<!tpu.dma_semaphore, #tpu.memory_space<semaphore_mem>>) src(%dma_wait3A_10 : memref<64xi32, #tpu.memory_space<hbm>>) dst(%arg5 : memref<64xi32, #tpu.memory_space<vmem>>)
      tpu.yield
    }) : () -> ()
    %dma_start3A = arith.constant 0 : i32
    %dma_start3A_3 = arith.constant 0 : i32
    %dma_start3A_4 = tpu.memref_slice %arg2[%dma_start3A, %dma_start3A_3] : memref<2560x1024xf32, #tpu.memory_space<hbm>> -> memref<2560x1024xf32, #tpu.memory_space<hbm>>
    tpu.enqueue_indirect_dma source(%dma_start3A_4 : memref<2560x1024xf32, #tpu.memory_space<hbm>>) target(%arg6 : memref<64x1024xf32, #tpu.memory_space<vmem>>) offsets(%arg5 : memref<64xi32, #tpu.memory_space<vmem>>) semaphore(%arg7 : memref<!tpu.dma_semaphore, #tpu.memory_space<semaphore_mem>>)
    %dma_wait3A = arith.constant 0 : i32
    %dma_wait3A_5 = arith.constant 0 : i32
    %dma_wait3A_6 = tpu.memref_slice %arg2[%dma_wait3A, %dma_wait3A_5] : memref<2560x1024xf32, #tpu.memory_space<hbm>> -> memref<2560x1024xf32, #tpu.memory_space<hbm>>
    tpu.wait_indirect_dma semaphore(%arg7 : memref<!tpu.dma_semaphore, #tpu.memory_space<semaphore_mem>>) src(%dma_wait3A_6 : memref<2560x1024xf32, #tpu.memory_space<hbm>>) dst(%arg6 : memref<64x1024xf32, #tpu.memory_space<vmem>>)
    "tpu.region"() ({
      %run_scoped3A = tpu.sem_alloc : memref<!tpu.dma_semaphore, #tpu.memory_space<semaphore_mem>>
      %dma_start3A_7 = arith.constant 0 : i32
      %dma_start3A_8 = tpu.memref_slice %arg4[%mul3A_2, %dma_start3A_7] : memref<2048x1024xf32, #tpu.memory_space<hbm>> -> memref<64x1024xf32, #tpu.memory_space<hbm>>
      %dma_start3A_9 = arith.constant 0 : i32
      %dma_start3A_10 = tpu.memref_slice %arg4[%mul3A_2, %dma_start3A_9] : memref<2048x1024xf32, #tpu.memory_space<hbm>> -> memref<64x1024xf32, #tpu.memory_space<hbm>>
      tpu.enqueue_dma source(%arg6 : memref<64x1024xf32, #tpu.memory_space<vmem>>) target(%dma_start3A_10 : memref<64x1024xf32, #tpu.memory_space<hbm>>) target_semaphore(%run_scoped3A : memref<!tpu.dma_semaphore, #tpu.memory_space<semaphore_mem>>)
      %dma_wait3A_11 = arith.constant 0 : i32
      %dma_wait3A_12 = tpu.memref_slice %arg4[%mul3A_2, %dma_wait3A_11] : memref<2048x1024xf32, #tpu.memory_space<hbm>> -> memref<64x1024xf32, #tpu.memory_space<hbm>>
      %dma_wait3A_13 = arith.constant 0 : i32
      %dma_wait3A_14 = tpu.memref_slice %arg4[%mul3A_2, %dma_wait3A_13] : memref<2048x1024xf32, #tpu.memory_space<hbm>> -> memref<64x1024xf32, #tpu.memory_space<hbm>>
      tpu.wait_dma2 semaphore(%run_scoped3A : memref<!tpu.dma_semaphore, #tpu.memory_space<semaphore_mem>>) src(%arg6 : memref<64x1024xf32, #tpu.memory_space<vmem>>) dst(%dma_wait3A_14 : memref<64x1024xf32, #tpu.memory_space<hbm>>)
      tpu.yield
    }) : () -> ()
    return
  }
}

module attributes {stable_mosaic.version = 14 : i64} {
  func.func @_router_body(%arg0: memref<2048x1024xf32, #tpu.memory_space<vmem>>, %arg1: memref<1024x64xf32, #tpu.memory_space<vmem>>, %arg2: memref<1x64xf32, #tpu.memory_space<vmem>>, %arg3: memref<64x128xi32, #tpu.memory_space<vmem>>, %arg4: memref<64x128xf32, #tpu.memory_space<vmem>>, %arg5: memref<2048x1xi32, #tpu.memory_space<vmem>>, %arg6: memref<1x1xf32, #tpu.memory_space<vmem>>) attributes {dimension_semantics = [], scalar_prefetch = 0 : i64, scratch_operands = 0 : i64, tpu.core_type = #tpu.core_type<tc>} {
    %get3A = arith.constant 0 : index
    %get3A_0 = arith.constant 0 : index
    %get3A_1 = vector.load %arg0[%get3A, %get3A_0] : memref<2048x1024xf32, #tpu.memory_space<vmem>>, vector<2048x1024xf32>
    %get3A_2 = arith.constant 0 : index
    %get3A_3 = arith.constant 0 : index
    %get3A_4 = vector.load %arg1[%get3A_2, %get3A_3] : memref<1024x64xf32, #tpu.memory_space<vmem>>, vector<1024x64xf32>
    %dot_general3A = arith.constant dense<0.000000e+00> : vector<2048x64xf32>
    %dot_general3A_5 = tpu.matmul %get3A_1, %get3A_4, %dot_general3A {dimension_numbers = #tpu.dot_dimension_numbers<[1], [0], [0], [1], [0, 0, 1, 1], [], []>, transpose_lhs_hint = false} : vector<2048x1024xf32>, vector<1024x64xf32>, vector<2048x64xf32> -> vector<2048x64xf32>
    %get3A_6 = arith.constant 0 : index
    %get3A_7 = arith.constant 0 : index
    %get3A_8 = vector.load %arg2[%get3A_6, %get3A_7] : memref<1x64xf32, #tpu.memory_space<vmem>>, vector<1x64xf32>
    %add3A = vector.broadcast %get3A_8 : vector<1x64xf32> to vector<2048x64xf32>
    %add3A_9 = arith.addf %dot_general3A_5, %add3A : vector<2048x64xf32>
    %reduce_max3A = arith.constant dense<0xFF800000> : vector<2048xf32>
    %reduce_max3A_10 = vector.multi_reduction <maximumf>, %add3A_9, %reduce_max3A [1] : vector<2048x64xf32> to vector<2048xf32>
    %broadcast_in_dim3A = vector.shape_cast %reduce_max3A_10 : vector<2048xf32> to vector<2048x1xf32>
    %sub3A = vector.broadcast %broadcast_in_dim3A : vector<2048x1xf32> to vector<2048x64xf32>
    %sub3A_11 = arith.subf %add3A_9, %sub3A : vector<2048x64xf32>
    %exp3A = math.exp %sub3A_11 : vector<2048x64xf32>
    %reduce_sum3A = arith.constant dense<0.000000e+00> : vector<2048xf32>
    %reduce_sum3A_12 = vector.multi_reduction <add>, %exp3A, %reduce_sum3A [1] : vector<2048x64xf32> to vector<2048xf32>
    %broadcast_in_dim3A_13 = vector.shape_cast %reduce_sum3A_12 : vector<2048xf32> to vector<2048x1xf32>
    %div3A = vector.broadcast %broadcast_in_dim3A_13 : vector<2048x1xf32> to vector<2048x64xf32>
    %div3A_14 = arith.divf %exp3A, %div3A : vector<2048x64xf32>
    %reduce_max3A_15 = arith.constant dense<0xFF800000> : vector<2048xf32>
    %reduce_max3A_16 = vector.multi_reduction <maximumf>, %div3A_14, %reduce_max3A_15 [1] : vector<2048x64xf32> to vector<2048xf32>
    %broadcast_in_dim3A_17 = vector.shape_cast %reduce_max3A_16 : vector<2048xf32> to vector<2048x1xf32>
    %add3A_18 = arith.constant 9.99999971E-10 : f32
    %add3A_19 = vector.broadcast %add3A_18 : f32 to vector<2048x1xf32>
    %add3A_20 = arith.addf %broadcast_in_dim3A_17, %add3A_19 : vector<2048x1xf32>
    %div3A_21 = arith.divf %broadcast_in_dim3A_17, %add3A_20 : vector<2048x1xf32>
    %iota3A = tpu.iota {dimensions = array<i32: 1>} : vector<2048x64xi32>
    %convert_element_type3A = arith.sitofp %iota3A : vector<2048x64xi32> to vector<2048x64xf32>
    %eq3A = vector.broadcast %broadcast_in_dim3A_17 : vector<2048x1xf32> to vector<2048x64xf32>
    %eq3A_22 = arith.cmpf oeq, %div3A_14, %eq3A : vector<2048x64xf32>
    %jit3A = arith.constant 6.400000e+01 : f32
    %broadcast_in_dim3A_23 = vector.broadcast %jit3A : f32 to vector<2048x64xf32>
    %select_n3A = arith.select %eq3A_22, %convert_element_type3A, %broadcast_in_dim3A_23 : vector<2048x64xi1>, vector<2048x64xf32>
    %reduce_min3A = arith.constant dense<0x7F800000> : vector<2048xf32>
    %reduce_min3A_24 = vector.multi_reduction <minimumf>, %select_n3A, %reduce_min3A [1] : vector<2048x64xf32> to vector<2048xf32>
    %broadcast_in_dim3A_25 = vector.shape_cast %reduce_min3A_24 : vector<2048xf32> to vector<2048x1xf32>
    %iota3A_26 = tpu.iota {dimensions = array<i32: 0>} : vector<256x256xi32>
    %iota3A_27 = tpu.iota {dimensions = array<i32: 1>} : vector<256x256xi32>
    %eq3A_28 = arith.cmpi eq, %iota3A_26, %iota3A_27 : vector<256x256xi32>
    %convert_element_type3A_29 = arith.extui %eq3A_28 : vector<256x256xi1> to vector<256x256xi32>
    %convert_element_type3A_30 = arith.sitofp %convert_element_type3A_29 : vector<256x256xi32> to vector<256x256xf32>
    %slice3A = vector.extract_strided_slice %div3A_21 {offsets = [0, 0], sizes = [256, 1], strides = [1, 1]} : vector<2048x1xf32> to vector<256x1xf32>
    %mul3A = vector.broadcast %slice3A : vector<256x1xf32> to vector<256x256xf32>
    %mul3A_31 = arith.mulf %convert_element_type3A_30, %mul3A : vector<256x256xf32>
    %reduce_sum3A_32 = arith.constant dense<0.000000e+00> : vector<256xf32>
    %reduce_sum3A_33 = vector.multi_reduction <add>, %mul3A_31, %reduce_sum3A_32 [0] : vector<256x256xf32> to vector<256xf32>
    %broadcast_in_dim3A_34 = vector.shape_cast %reduce_sum3A_33 : vector<256xf32> to vector<1x256xf32>
    %slice3A_35 = vector.extract_strided_slice %broadcast_in_dim3A_25 {offsets = [0, 0], sizes = [256, 1], strides = [1, 1]} : vector<2048x1xf32> to vector<256x1xf32>
    %mul3A_36 = vector.broadcast %slice3A_35 : vector<256x1xf32> to vector<256x256xf32>
    %mul3A_37 = arith.mulf %convert_element_type3A_30, %mul3A_36 : vector<256x256xf32>
    %reduce_sum3A_38 = arith.constant dense<0.000000e+00> : vector<256xf32>
    %reduce_sum3A_39 = vector.multi_reduction <add>, %mul3A_37, %reduce_sum3A_38 [0] : vector<256x256xf32> to vector<256xf32>
    %broadcast_in_dim3A_40 = vector.shape_cast %reduce_sum3A_39 : vector<256xf32> to vector<1x256xf32>
    %slice3A_41 = vector.extract_strided_slice %div3A_21 {offsets = [256, 0], sizes = [256, 1], strides = [1, 1]} : vector<2048x1xf32> to vector<256x1xf32>
    %mul3A_42 = vector.broadcast %slice3A_41 : vector<256x1xf32> to vector<256x256xf32>
    %mul3A_43 = arith.mulf %convert_element_type3A_30, %mul3A_42 : vector<256x256xf32>
    %reduce_sum3A_44 = arith.constant dense<0.000000e+00> : vector<256xf32>
    %reduce_sum3A_45 = vector.multi_reduction <add>, %mul3A_43, %reduce_sum3A_44 [0] : vector<256x256xf32> to vector<256xf32>
    %broadcast_in_dim3A_46 = vector.shape_cast %reduce_sum3A_45 : vector<256xf32> to vector<1x256xf32>
    %slice3A_47 = vector.extract_strided_slice %broadcast_in_dim3A_25 {offsets = [256, 0], sizes = [256, 1], strides = [1, 1]} : vector<2048x1xf32> to vector<256x1xf32>
    %mul3A_48 = vector.broadcast %slice3A_47 : vector<256x1xf32> to vector<256x256xf32>
    %mul3A_49 = arith.mulf %convert_element_type3A_30, %mul3A_48 : vector<256x256xf32>
    %reduce_sum3A_50 = arith.constant dense<0.000000e+00> : vector<256xf32>
    %reduce_sum3A_51 = vector.multi_reduction <add>, %mul3A_49, %reduce_sum3A_50 [0] : vector<256x256xf32> to vector<256xf32>
    %broadcast_in_dim3A_52 = vector.shape_cast %reduce_sum3A_51 : vector<256xf32> to vector<1x256xf32>
    %slice3A_53 = vector.extract_strided_slice %div3A_21 {offsets = [512, 0], sizes = [256, 1], strides = [1, 1]} : vector<2048x1xf32> to vector<256x1xf32>
    %mul3A_54 = vector.broadcast %slice3A_53 : vector<256x1xf32> to vector<256x256xf32>
    %mul3A_55 = arith.mulf %convert_element_type3A_30, %mul3A_54 : vector<256x256xf32>
    %reduce_sum3A_56 = arith.constant dense<0.000000e+00> : vector<256xf32>
    %reduce_sum3A_57 = vector.multi_reduction <add>, %mul3A_55, %reduce_sum3A_56 [0] : vector<256x256xf32> to vector<256xf32>
    %broadcast_in_dim3A_58 = vector.shape_cast %reduce_sum3A_57 : vector<256xf32> to vector<1x256xf32>
    %slice3A_59 = vector.extract_strided_slice %broadcast_in_dim3A_25 {offsets = [512, 0], sizes = [256, 1], strides = [1, 1]} : vector<2048x1xf32> to vector<256x1xf32>
    %mul3A_60 = vector.broadcast %slice3A_59 : vector<256x1xf32> to vector<256x256xf32>
    %mul3A_61 = arith.mulf %convert_element_type3A_30, %mul3A_60 : vector<256x256xf32>
    %reduce_sum3A_62 = arith.constant dense<0.000000e+00> : vector<256xf32>
    %reduce_sum3A_63 = vector.multi_reduction <add>, %mul3A_61, %reduce_sum3A_62 [0] : vector<256x256xf32> to vector<256xf32>
    %broadcast_in_dim3A_64 = vector.shape_cast %reduce_sum3A_63 : vector<256xf32> to vector<1x256xf32>
    %slice3A_65 = vector.extract_strided_slice %div3A_21 {offsets = [768, 0], sizes = [256, 1], strides = [1, 1]} : vector<2048x1xf32> to vector<256x1xf32>
    %mul3A_66 = vector.broadcast %slice3A_65 : vector<256x1xf32> to vector<256x256xf32>
    %mul3A_67 = arith.mulf %convert_element_type3A_30, %mul3A_66 : vector<256x256xf32>
    %reduce_sum3A_68 = arith.constant dense<0.000000e+00> : vector<256xf32>
    %reduce_sum3A_69 = vector.multi_reduction <add>, %mul3A_67, %reduce_sum3A_68 [0] : vector<256x256xf32> to vector<256xf32>
    %broadcast_in_dim3A_70 = vector.shape_cast %reduce_sum3A_69 : vector<256xf32> to vector<1x256xf32>
    %slice3A_71 = vector.extract_strided_slice %broadcast_in_dim3A_25 {offsets = [768, 0], sizes = [256, 1], strides = [1, 1]} : vector<2048x1xf32> to vector<256x1xf32>
    %mul3A_72 = vector.broadcast %slice3A_71 : vector<256x1xf32> to vector<256x256xf32>
    %mul3A_73 = arith.mulf %convert_element_type3A_30, %mul3A_72 : vector<256x256xf32>
    %reduce_sum3A_74 = arith.constant dense<0.000000e+00> : vector<256xf32>
    %reduce_sum3A_75 = vector.multi_reduction <add>, %mul3A_73, %reduce_sum3A_74 [0] : vector<256x256xf32> to vector<256xf32>
    %broadcast_in_dim3A_76 = vector.shape_cast %reduce_sum3A_75 : vector<256xf32> to vector<1x256xf32>
    %slice3A_77 = vector.extract_strided_slice %div3A_21 {offsets = [1024, 0], sizes = [256, 1], strides = [1, 1]} : vector<2048x1xf32> to vector<256x1xf32>
    %mul3A_78 = vector.broadcast %slice3A_77 : vector<256x1xf32> to vector<256x256xf32>
    %mul3A_79 = arith.mulf %convert_element_type3A_30, %mul3A_78 : vector<256x256xf32>
    %reduce_sum3A_80 = arith.constant dense<0.000000e+00> : vector<256xf32>
    %reduce_sum3A_81 = vector.multi_reduction <add>, %mul3A_79, %reduce_sum3A_80 [0] : vector<256x256xf32> to vector<256xf32>
    %broadcast_in_dim3A_82 = vector.shape_cast %reduce_sum3A_81 : vector<256xf32> to vector<1x256xf32>
    %slice3A_83 = vector.extract_strided_slice %broadcast_in_dim3A_25 {offsets = [1024, 0], sizes = [256, 1], strides = [1, 1]} : vector<2048x1xf32> to vector<256x1xf32>
    %mul3A_84 = vector.broadcast %slice3A_83 : vector<256x1xf32> to vector<256x256xf32>
    %mul3A_85 = arith.mulf %convert_element_type3A_30, %mul3A_84 : vector<256x256xf32>
    %reduce_sum3A_86 = arith.constant dense<0.000000e+00> : vector<256xf32>
    %reduce_sum3A_87 = vector.multi_reduction <add>, %mul3A_85, %reduce_sum3A_86 [0] : vector<256x256xf32> to vector<256xf32>
    %broadcast_in_dim3A_88 = vector.shape_cast %reduce_sum3A_87 : vector<256xf32> to vector<1x256xf32>
    %slice3A_89 = vector.extract_strided_slice %div3A_21 {offsets = [1280, 0], sizes = [256, 1], strides = [1, 1]} : vector<2048x1xf32> to vector<256x1xf32>
    %mul3A_90 = vector.broadcast %slice3A_89 : vector<256x1xf32> to vector<256x256xf32>
    %mul3A_91 = arith.mulf %convert_element_type3A_30, %mul3A_90 : vector<256x256xf32>
    %reduce_sum3A_92 = arith.constant dense<0.000000e+00> : vector<256xf32>
    %reduce_sum3A_93 = vector.multi_reduction <add>, %mul3A_91, %reduce_sum3A_92 [0] : vector<256x256xf32> to vector<256xf32>
    %broadcast_in_dim3A_94 = vector.shape_cast %reduce_sum3A_93 : vector<256xf32> to vector<1x256xf32>
    %slice3A_95 = vector.extract_strided_slice %broadcast_in_dim3A_25 {offsets = [1280, 0], sizes = [256, 1], strides = [1, 1]} : vector<2048x1xf32> to vector<256x1xf32>
    %mul3A_96 = vector.broadcast %slice3A_95 : vector<256x1xf32> to vector<256x256xf32>
    %mul3A_97 = arith.mulf %convert_element_type3A_30, %mul3A_96 : vector<256x256xf32>
    %reduce_sum3A_98 = arith.constant dense<0.000000e+00> : vector<256xf32>
    %reduce_sum3A_99 = vector.multi_reduction <add>, %mul3A_97, %reduce_sum3A_98 [0] : vector<256x256xf32> to vector<256xf32>
    %broadcast_in_dim3A_100 = vector.shape_cast %reduce_sum3A_99 : vector<256xf32> to vector<1x256xf32>
    %slice3A_101 = vector.extract_strided_slice %div3A_21 {offsets = [1536, 0], sizes = [256, 1], strides = [1, 1]} : vector<2048x1xf32> to vector<256x1xf32>
    %mul3A_102 = vector.broadcast %slice3A_101 : vector<256x1xf32> to vector<256x256xf32>
    %mul3A_103 = arith.mulf %convert_element_type3A_30, %mul3A_102 : vector<256x256xf32>
    %reduce_sum3A_104 = arith.constant dense<0.000000e+00> : vector<256xf32>
    %reduce_sum3A_105 = vector.multi_reduction <add>, %mul3A_103, %reduce_sum3A_104 [0] : vector<256x256xf32> to vector<256xf32>
    %broadcast_in_dim3A_106 = vector.shape_cast %reduce_sum3A_105 : vector<256xf32> to vector<1x256xf32>
    %slice3A_107 = vector.extract_strided_slice %broadcast_in_dim3A_25 {offsets = [1536, 0], sizes = [256, 1], strides = [1, 1]} : vector<2048x1xf32> to vector<256x1xf32>
    %mul3A_108 = vector.broadcast %slice3A_107 : vector<256x1xf32> to vector<256x256xf32>
    %mul3A_109 = arith.mulf %convert_element_type3A_30, %mul3A_108 : vector<256x256xf32>
    %reduce_sum3A_110 = arith.constant dense<0.000000e+00> : vector<256xf32>
    %reduce_sum3A_111 = vector.multi_reduction <add>, %mul3A_109, %reduce_sum3A_110 [0] : vector<256x256xf32> to vector<256xf32>
    %broadcast_in_dim3A_112 = vector.shape_cast %reduce_sum3A_111 : vector<256xf32> to vector<1x256xf32>
    %slice3A_113 = vector.extract_strided_slice %div3A_21 {offsets = [1792, 0], sizes = [256, 1], strides = [1, 1]} : vector<2048x1xf32> to vector<256x1xf32>
    %mul3A_114 = vector.broadcast %slice3A_113 : vector<256x1xf32> to vector<256x256xf32>
    %mul3A_115 = arith.mulf %convert_element_type3A_30, %mul3A_114 : vector<256x256xf32>
    %reduce_sum3A_116 = arith.constant dense<0.000000e+00> : vector<256xf32>
    %reduce_sum3A_117 = vector.multi_reduction <add>, %mul3A_115, %reduce_sum3A_116 [0] : vector<256x256xf32> to vector<256xf32>
    %broadcast_in_dim3A_118 = vector.shape_cast %reduce_sum3A_117 : vector<256xf32> to vector<1x256xf32>
    %slice3A_119 = vector.extract_strided_slice %broadcast_in_dim3A_25 {offsets = [1792, 0], sizes = [256, 1], strides = [1, 1]} : vector<2048x1xf32> to vector<256x1xf32>
    %mul3A_120 = vector.broadcast %slice3A_119 : vector<256x1xf32> to vector<256x256xf32>
    %mul3A_121 = arith.mulf %convert_element_type3A_30, %mul3A_120 : vector<256x256xf32>
    %reduce_sum3A_122 = arith.constant dense<0.000000e+00> : vector<256xf32>
    %reduce_sum3A_123 = vector.multi_reduction <add>, %mul3A_121, %reduce_sum3A_122 [0] : vector<256x256xf32> to vector<256xf32>
    %broadcast_in_dim3A_124 = vector.shape_cast %reduce_sum3A_123 : vector<256xf32> to vector<1x256xf32>
    %concatenate3A = tpu.concatenate %broadcast_in_dim3A_34, %broadcast_in_dim3A_46, %broadcast_in_dim3A_58, %broadcast_in_dim3A_70, %broadcast_in_dim3A_82, %broadcast_in_dim3A_94, %broadcast_in_dim3A_106, %broadcast_in_dim3A_118 in 1 : vector<1x256xf32>, vector<1x256xf32>, vector<1x256xf32>, vector<1x256xf32>, vector<1x256xf32>, vector<1x256xf32>, vector<1x256xf32>, vector<1x256xf32> -> vector<1x2048xf32>
    %concatenate3A_125 = tpu.concatenate %broadcast_in_dim3A_40, %broadcast_in_dim3A_52, %broadcast_in_dim3A_64, %broadcast_in_dim3A_76, %broadcast_in_dim3A_88, %broadcast_in_dim3A_100, %broadcast_in_dim3A_112, %broadcast_in_dim3A_124 in 1 : vector<1x256xf32>, vector<1x256xf32>, vector<1x256xf32>, vector<1x256xf32>, vector<1x256xf32>, vector<1x256xf32>, vector<1x256xf32>, vector<1x256xf32> -> vector<1x2048xf32>
    %iota3A_126 = tpu.iota {dimensions = array<i32: 1>} : vector<1x2048xi32>
    %convert_element_type3A_127 = arith.sitofp %iota3A_126 : vector<1x2048xi32> to vector<1x2048xf32>
    %slice3A_128 = vector.extract_strided_slice %div3A_21 {offsets = [0, 0], sizes = [256, 1], strides = [1, 1]} : vector<2048x1xf32> to vector<256x1xf32>
    %slice3A_129 = vector.extract_strided_slice %broadcast_in_dim3A_25 {offsets = [0, 0], sizes = [256, 1], strides = [1, 1]} : vector<2048x1xf32> to vector<256x1xf32>
    %iota3A_130 = tpu.iota {dimensions = array<i32: 0>} : vector<256x1xi32>
    %convert_element_type3A_131 = arith.sitofp %iota3A_130 : vector<256x1xi32> to vector<256x1xf32>
    %add3A_132 = arith.constant 0.000000e+00 : f32
    %add3A_133 = vector.broadcast %add3A_132 : f32 to vector<256x1xf32>
    %add3A_134 = arith.addf %convert_element_type3A_131, %add3A_133 : vector<256x1xf32>
    %eq3A_135 = vector.broadcast %concatenate3A_125 : vector<1x2048xf32> to vector<256x2048xf32>
    %eq3A_136 = vector.broadcast %slice3A_129 : vector<256x1xf32> to vector<256x2048xf32>
    %eq3A_137 = arith.cmpf oeq, %eq3A_135, %eq3A_136 : vector<256x2048xf32>
    %gt3A = vector.broadcast %concatenate3A : vector<1x2048xf32> to vector<256x2048xf32>
    %gt3A_138 = vector.broadcast %slice3A_128 : vector<256x1xf32> to vector<256x2048xf32>
    %gt3A_139 = arith.cmpf ogt, %gt3A, %gt3A_138 : vector<256x2048xf32>
    %eq3A_140 = vector.broadcast %concatenate3A : vector<1x2048xf32> to vector<256x2048xf32>
    %eq3A_141 = vector.broadcast %slice3A_128 : vector<256x1xf32> to vector<256x2048xf32>
    %eq3A_142 = arith.cmpf oeq, %eq3A_140, %eq3A_141 : vector<256x2048xf32>
    %lt3A = vector.broadcast %convert_element_type3A_127 : vector<1x2048xf32> to vector<256x2048xf32>
    %lt3A_143 = vector.broadcast %add3A_134 : vector<256x1xf32> to vector<256x2048xf32>
    %lt3A_144 = arith.cmpf olt, %lt3A, %lt3A_143 : vector<256x2048xf32>
    %and3A = arith.andi %eq3A_142, %lt3A_144 : vector<256x2048xi1>
    %or3A = arith.ori %gt3A_139, %and3A : vector<256x2048xi1>
    %and3A_145 = arith.andi %eq3A_137, %or3A : vector<256x2048xi1>
    %jit3A_146 = arith.constant 1.000000e+00 : f32
    %jit3A_147 = arith.constant 0.000000e+00 : f32
    %broadcast_in_dim3A_148 = vector.broadcast %jit3A_146 : f32 to vector<256x2048xf32>
    %broadcast_in_dim3A_149 = vector.broadcast %jit3A_147 : f32 to vector<256x2048xf32>
    %select_n3A_150 = arith.select %and3A_145, %broadcast_in_dim3A_148, %broadcast_in_dim3A_149 : vector<256x2048xi1>, vector<256x2048xf32>
    %reduce_sum3A_151 = arith.constant dense<0.000000e+00> : vector<256xf32>
    %reduce_sum3A_152 = vector.multi_reduction <add>, %select_n3A_150, %reduce_sum3A_151 [1] : vector<256x2048xf32> to vector<256xf32>
    %broadcast_in_dim3A_153 = vector.shape_cast %reduce_sum3A_152 : vector<256xf32> to vector<256x1xf32>
    %slice3A_154 = vector.extract_strided_slice %div3A_21 {offsets = [256, 0], sizes = [256, 1], strides = [1, 1]} : vector<2048x1xf32> to vector<256x1xf32>
    %slice3A_155 = vector.extract_strided_slice %broadcast_in_dim3A_25 {offsets = [256, 0], sizes = [256, 1], strides = [1, 1]} : vector<2048x1xf32> to vector<256x1xf32>
    %iota3A_156 = tpu.iota {dimensions = array<i32: 0>} : vector<256x1xi32>
    %convert_element_type3A_157 = arith.sitofp %iota3A_156 : vector<256x1xi32> to vector<256x1xf32>
    %add3A_158 = arith.constant 2.560000e+02 : f32
    %add3A_159 = vector.broadcast %add3A_158 : f32 to vector<256x1xf32>
    %add3A_160 = arith.addf %convert_element_type3A_157, %add3A_159 : vector<256x1xf32>
    %eq3A_161 = vector.broadcast %concatenate3A_125 : vector<1x2048xf32> to vector<256x2048xf32>
    %eq3A_162 = vector.broadcast %slice3A_155 : vector<256x1xf32> to vector<256x2048xf32>
    %eq3A_163 = arith.cmpf oeq, %eq3A_161, %eq3A_162 : vector<256x2048xf32>
    %gt3A_164 = vector.broadcast %concatenate3A : vector<1x2048xf32> to vector<256x2048xf32>
    %gt3A_165 = vector.broadcast %slice3A_154 : vector<256x1xf32> to vector<256x2048xf32>
    %gt3A_166 = arith.cmpf ogt, %gt3A_164, %gt3A_165 : vector<256x2048xf32>
    %eq3A_167 = vector.broadcast %concatenate3A : vector<1x2048xf32> to vector<256x2048xf32>
    %eq3A_168 = vector.broadcast %slice3A_154 : vector<256x1xf32> to vector<256x2048xf32>
    %eq3A_169 = arith.cmpf oeq, %eq3A_167, %eq3A_168 : vector<256x2048xf32>
    %lt3A_170 = vector.broadcast %convert_element_type3A_127 : vector<1x2048xf32> to vector<256x2048xf32>
    %lt3A_171 = vector.broadcast %add3A_160 : vector<256x1xf32> to vector<256x2048xf32>
    %lt3A_172 = arith.cmpf olt, %lt3A_170, %lt3A_171 : vector<256x2048xf32>
    %and3A_173 = arith.andi %eq3A_169, %lt3A_172 : vector<256x2048xi1>
    %or3A_174 = arith.ori %gt3A_166, %and3A_173 : vector<256x2048xi1>
    %and3A_175 = arith.andi %eq3A_163, %or3A_174 : vector<256x2048xi1>
    %jit3A_176 = arith.constant 1.000000e+00 : f32
    %jit3A_177 = arith.constant 0.000000e+00 : f32
    %broadcast_in_dim3A_178 = vector.broadcast %jit3A_176 : f32 to vector<256x2048xf32>
    %broadcast_in_dim3A_179 = vector.broadcast %jit3A_177 : f32 to vector<256x2048xf32>
    %select_n3A_180 = arith.select %and3A_175, %broadcast_in_dim3A_178, %broadcast_in_dim3A_179 : vector<256x2048xi1>, vector<256x2048xf32>
    %reduce_sum3A_181 = arith.constant dense<0.000000e+00> : vector<256xf32>
    %reduce_sum3A_182 = vector.multi_reduction <add>, %select_n3A_180, %reduce_sum3A_181 [1] : vector<256x2048xf32> to vector<256xf32>
    %broadcast_in_dim3A_183 = vector.shape_cast %reduce_sum3A_182 : vector<256xf32> to vector<256x1xf32>
    %slice3A_184 = vector.extract_strided_slice %div3A_21 {offsets = [512, 0], sizes = [256, 1], strides = [1, 1]} : vector<2048x1xf32> to vector<256x1xf32>
    %slice3A_185 = vector.extract_strided_slice %broadcast_in_dim3A_25 {offsets = [512, 0], sizes = [256, 1], strides = [1, 1]} : vector<2048x1xf32> to vector<256x1xf32>
    %iota3A_186 = tpu.iota {dimensions = array<i32: 0>} : vector<256x1xi32>
    %convert_element_type3A_187 = arith.sitofp %iota3A_186 : vector<256x1xi32> to vector<256x1xf32>
    %add3A_188 = arith.constant 5.120000e+02 : f32
    %add3A_189 = vector.broadcast %add3A_188 : f32 to vector<256x1xf32>
    %add3A_190 = arith.addf %convert_element_type3A_187, %add3A_189 : vector<256x1xf32>
    %eq3A_191 = vector.broadcast %concatenate3A_125 : vector<1x2048xf32> to vector<256x2048xf32>
    %eq3A_192 = vector.broadcast %slice3A_185 : vector<256x1xf32> to vector<256x2048xf32>
    %eq3A_193 = arith.cmpf oeq, %eq3A_191, %eq3A_192 : vector<256x2048xf32>
    %gt3A_194 = vector.broadcast %concatenate3A : vector<1x2048xf32> to vector<256x2048xf32>
    %gt3A_195 = vector.broadcast %slice3A_184 : vector<256x1xf32> to vector<256x2048xf32>
    %gt3A_196 = arith.cmpf ogt, %gt3A_194, %gt3A_195 : vector<256x2048xf32>
    %eq3A_197 = vector.broadcast %concatenate3A : vector<1x2048xf32> to vector<256x2048xf32>
    %eq3A_198 = vector.broadcast %slice3A_184 : vector<256x1xf32> to vector<256x2048xf32>
    %eq3A_199 = arith.cmpf oeq, %eq3A_197, %eq3A_198 : vector<256x2048xf32>
    %lt3A_200 = vector.broadcast %convert_element_type3A_127 : vector<1x2048xf32> to vector<256x2048xf32>
    %lt3A_201 = vector.broadcast %add3A_190 : vector<256x1xf32> to vector<256x2048xf32>
    %lt3A_202 = arith.cmpf olt, %lt3A_200, %lt3A_201 : vector<256x2048xf32>
    %and3A_203 = arith.andi %eq3A_199, %lt3A_202 : vector<256x2048xi1>
    %or3A_204 = arith.ori %gt3A_196, %and3A_203 : vector<256x2048xi1>
    %and3A_205 = arith.andi %eq3A_193, %or3A_204 : vector<256x2048xi1>
    %jit3A_206 = arith.constant 1.000000e+00 : f32
    %jit3A_207 = arith.constant 0.000000e+00 : f32
    %broadcast_in_dim3A_208 = vector.broadcast %jit3A_206 : f32 to vector<256x2048xf32>
    %broadcast_in_dim3A_209 = vector.broadcast %jit3A_207 : f32 to vector<256x2048xf32>
    %select_n3A_210 = arith.select %and3A_205, %broadcast_in_dim3A_208, %broadcast_in_dim3A_209 : vector<256x2048xi1>, vector<256x2048xf32>
    %reduce_sum3A_211 = arith.constant dense<0.000000e+00> : vector<256xf32>
    %reduce_sum3A_212 = vector.multi_reduction <add>, %select_n3A_210, %reduce_sum3A_211 [1] : vector<256x2048xf32> to vector<256xf32>
    %broadcast_in_dim3A_213 = vector.shape_cast %reduce_sum3A_212 : vector<256xf32> to vector<256x1xf32>
    %slice3A_214 = vector.extract_strided_slice %div3A_21 {offsets = [768, 0], sizes = [256, 1], strides = [1, 1]} : vector<2048x1xf32> to vector<256x1xf32>
    %slice3A_215 = vector.extract_strided_slice %broadcast_in_dim3A_25 {offsets = [768, 0], sizes = [256, 1], strides = [1, 1]} : vector<2048x1xf32> to vector<256x1xf32>
    %iota3A_216 = tpu.iota {dimensions = array<i32: 0>} : vector<256x1xi32>
    %convert_element_type3A_217 = arith.sitofp %iota3A_216 : vector<256x1xi32> to vector<256x1xf32>
    %add3A_218 = arith.constant 7.680000e+02 : f32
    %add3A_219 = vector.broadcast %add3A_218 : f32 to vector<256x1xf32>
    %add3A_220 = arith.addf %convert_element_type3A_217, %add3A_219 : vector<256x1xf32>
    %eq3A_221 = vector.broadcast %concatenate3A_125 : vector<1x2048xf32> to vector<256x2048xf32>
    %eq3A_222 = vector.broadcast %slice3A_215 : vector<256x1xf32> to vector<256x2048xf32>
    %eq3A_223 = arith.cmpf oeq, %eq3A_221, %eq3A_222 : vector<256x2048xf32>
    %gt3A_224 = vector.broadcast %concatenate3A : vector<1x2048xf32> to vector<256x2048xf32>
    %gt3A_225 = vector.broadcast %slice3A_214 : vector<256x1xf32> to vector<256x2048xf32>
    %gt3A_226 = arith.cmpf ogt, %gt3A_224, %gt3A_225 : vector<256x2048xf32>
    %eq3A_227 = vector.broadcast %concatenate3A : vector<1x2048xf32> to vector<256x2048xf32>
    %eq3A_228 = vector.broadcast %slice3A_214 : vector<256x1xf32> to vector<256x2048xf32>
    %eq3A_229 = arith.cmpf oeq, %eq3A_227, %eq3A_228 : vector<256x2048xf32>
    %lt3A_230 = vector.broadcast %convert_element_type3A_127 : vector<1x2048xf32> to vector<256x2048xf32>
    %lt3A_231 = vector.broadcast %add3A_220 : vector<256x1xf32> to vector<256x2048xf32>
    %lt3A_232 = arith.cmpf olt, %lt3A_230, %lt3A_231 : vector<256x2048xf32>
    %and3A_233 = arith.andi %eq3A_229, %lt3A_232 : vector<256x2048xi1>
    %or3A_234 = arith.ori %gt3A_226, %and3A_233 : vector<256x2048xi1>
    %and3A_235 = arith.andi %eq3A_223, %or3A_234 : vector<256x2048xi1>
    %jit3A_236 = arith.constant 1.000000e+00 : f32
    %jit3A_237 = arith.constant 0.000000e+00 : f32
    %broadcast_in_dim3A_238 = vector.broadcast %jit3A_236 : f32 to vector<256x2048xf32>
    %broadcast_in_dim3A_239 = vector.broadcast %jit3A_237 : f32 to vector<256x2048xf32>
    %select_n3A_240 = arith.select %and3A_235, %broadcast_in_dim3A_238, %broadcast_in_dim3A_239 : vector<256x2048xi1>, vector<256x2048xf32>
    %reduce_sum3A_241 = arith.constant dense<0.000000e+00> : vector<256xf32>
    %reduce_sum3A_242 = vector.multi_reduction <add>, %select_n3A_240, %reduce_sum3A_241 [1] : vector<256x2048xf32> to vector<256xf32>
    %broadcast_in_dim3A_243 = vector.shape_cast %reduce_sum3A_242 : vector<256xf32> to vector<256x1xf32>
    %slice3A_244 = vector.extract_strided_slice %div3A_21 {offsets = [1024, 0], sizes = [256, 1], strides = [1, 1]} : vector<2048x1xf32> to vector<256x1xf32>
    %slice3A_245 = vector.extract_strided_slice %broadcast_in_dim3A_25 {offsets = [1024, 0], sizes = [256, 1], strides = [1, 1]} : vector<2048x1xf32> to vector<256x1xf32>
    %iota3A_246 = tpu.iota {dimensions = array<i32: 0>} : vector<256x1xi32>
    %convert_element_type3A_247 = arith.sitofp %iota3A_246 : vector<256x1xi32> to vector<256x1xf32>
    %add3A_248 = arith.constant 1.024000e+03 : f32
    %add3A_249 = vector.broadcast %add3A_248 : f32 to vector<256x1xf32>
    %add3A_250 = arith.addf %convert_element_type3A_247, %add3A_249 : vector<256x1xf32>
    %eq3A_251 = vector.broadcast %concatenate3A_125 : vector<1x2048xf32> to vector<256x2048xf32>
    %eq3A_252 = vector.broadcast %slice3A_245 : vector<256x1xf32> to vector<256x2048xf32>
    %eq3A_253 = arith.cmpf oeq, %eq3A_251, %eq3A_252 : vector<256x2048xf32>
    %gt3A_254 = vector.broadcast %concatenate3A : vector<1x2048xf32> to vector<256x2048xf32>
    %gt3A_255 = vector.broadcast %slice3A_244 : vector<256x1xf32> to vector<256x2048xf32>
    %gt3A_256 = arith.cmpf ogt, %gt3A_254, %gt3A_255 : vector<256x2048xf32>
    %eq3A_257 = vector.broadcast %concatenate3A : vector<1x2048xf32> to vector<256x2048xf32>
    %eq3A_258 = vector.broadcast %slice3A_244 : vector<256x1xf32> to vector<256x2048xf32>
    %eq3A_259 = arith.cmpf oeq, %eq3A_257, %eq3A_258 : vector<256x2048xf32>
    %lt3A_260 = vector.broadcast %convert_element_type3A_127 : vector<1x2048xf32> to vector<256x2048xf32>
    %lt3A_261 = vector.broadcast %add3A_250 : vector<256x1xf32> to vector<256x2048xf32>
    %lt3A_262 = arith.cmpf olt, %lt3A_260, %lt3A_261 : vector<256x2048xf32>
    %and3A_263 = arith.andi %eq3A_259, %lt3A_262 : vector<256x2048xi1>
    %or3A_264 = arith.ori %gt3A_256, %and3A_263 : vector<256x2048xi1>
    %and3A_265 = arith.andi %eq3A_253, %or3A_264 : vector<256x2048xi1>
    %jit3A_266 = arith.constant 1.000000e+00 : f32
    %jit3A_267 = arith.constant 0.000000e+00 : f32
    %broadcast_in_dim3A_268 = vector.broadcast %jit3A_266 : f32 to vector<256x2048xf32>
    %broadcast_in_dim3A_269 = vector.broadcast %jit3A_267 : f32 to vector<256x2048xf32>
    %select_n3A_270 = arith.select %and3A_265, %broadcast_in_dim3A_268, %broadcast_in_dim3A_269 : vector<256x2048xi1>, vector<256x2048xf32>
    %reduce_sum3A_271 = arith.constant dense<0.000000e+00> : vector<256xf32>
    %reduce_sum3A_272 = vector.multi_reduction <add>, %select_n3A_270, %reduce_sum3A_271 [1] : vector<256x2048xf32> to vector<256xf32>
    %broadcast_in_dim3A_273 = vector.shape_cast %reduce_sum3A_272 : vector<256xf32> to vector<256x1xf32>
    %slice3A_274 = vector.extract_strided_slice %div3A_21 {offsets = [1280, 0], sizes = [256, 1], strides = [1, 1]} : vector<2048x1xf32> to vector<256x1xf32>
    %slice3A_275 = vector.extract_strided_slice %broadcast_in_dim3A_25 {offsets = [1280, 0], sizes = [256, 1], strides = [1, 1]} : vector<2048x1xf32> to vector<256x1xf32>
    %iota3A_276 = tpu.iota {dimensions = array<i32: 0>} : vector<256x1xi32>
    %convert_element_type3A_277 = arith.sitofp %iota3A_276 : vector<256x1xi32> to vector<256x1xf32>
    %add3A_278 = arith.constant 1.280000e+03 : f32
    %add3A_279 = vector.broadcast %add3A_278 : f32 to vector<256x1xf32>
    %add3A_280 = arith.addf %convert_element_type3A_277, %add3A_279 : vector<256x1xf32>
    %eq3A_281 = vector.broadcast %concatenate3A_125 : vector<1x2048xf32> to vector<256x2048xf32>
    %eq3A_282 = vector.broadcast %slice3A_275 : vector<256x1xf32> to vector<256x2048xf32>
    %eq3A_283 = arith.cmpf oeq, %eq3A_281, %eq3A_282 : vector<256x2048xf32>
    %gt3A_284 = vector.broadcast %concatenate3A : vector<1x2048xf32> to vector<256x2048xf32>
    %gt3A_285 = vector.broadcast %slice3A_274 : vector<256x1xf32> to vector<256x2048xf32>
    %gt3A_286 = arith.cmpf ogt, %gt3A_284, %gt3A_285 : vector<256x2048xf32>
    %eq3A_287 = vector.broadcast %concatenate3A : vector<1x2048xf32> to vector<256x2048xf32>
    %eq3A_288 = vector.broadcast %slice3A_274 : vector<256x1xf32> to vector<256x2048xf32>
    %eq3A_289 = arith.cmpf oeq, %eq3A_287, %eq3A_288 : vector<256x2048xf32>
    %lt3A_290 = vector.broadcast %convert_element_type3A_127 : vector<1x2048xf32> to vector<256x2048xf32>
    %lt3A_291 = vector.broadcast %add3A_280 : vector<256x1xf32> to vector<256x2048xf32>
    %lt3A_292 = arith.cmpf olt, %lt3A_290, %lt3A_291 : vector<256x2048xf32>
    %and3A_293 = arith.andi %eq3A_289, %lt3A_292 : vector<256x2048xi1>
    %or3A_294 = arith.ori %gt3A_286, %and3A_293 : vector<256x2048xi1>
    %and3A_295 = arith.andi %eq3A_283, %or3A_294 : vector<256x2048xi1>
    %jit3A_296 = arith.constant 1.000000e+00 : f32
    %jit3A_297 = arith.constant 0.000000e+00 : f32
    %broadcast_in_dim3A_298 = vector.broadcast %jit3A_296 : f32 to vector<256x2048xf32>
    %broadcast_in_dim3A_299 = vector.broadcast %jit3A_297 : f32 to vector<256x2048xf32>
    %select_n3A_300 = arith.select %and3A_295, %broadcast_in_dim3A_298, %broadcast_in_dim3A_299 : vector<256x2048xi1>, vector<256x2048xf32>
    %reduce_sum3A_301 = arith.constant dense<0.000000e+00> : vector<256xf32>
    %reduce_sum3A_302 = vector.multi_reduction <add>, %select_n3A_300, %reduce_sum3A_301 [1] : vector<256x2048xf32> to vector<256xf32>
    %broadcast_in_dim3A_303 = vector.shape_cast %reduce_sum3A_302 : vector<256xf32> to vector<256x1xf32>
    %slice3A_304 = vector.extract_strided_slice %div3A_21 {offsets = [1536, 0], sizes = [256, 1], strides = [1, 1]} : vector<2048x1xf32> to vector<256x1xf32>
    %slice3A_305 = vector.extract_strided_slice %broadcast_in_dim3A_25 {offsets = [1536, 0], sizes = [256, 1], strides = [1, 1]} : vector<2048x1xf32> to vector<256x1xf32>
    %iota3A_306 = tpu.iota {dimensions = array<i32: 0>} : vector<256x1xi32>
    %convert_element_type3A_307 = arith.sitofp %iota3A_306 : vector<256x1xi32> to vector<256x1xf32>
    %add3A_308 = arith.constant 1.536000e+03 : f32
    %add3A_309 = vector.broadcast %add3A_308 : f32 to vector<256x1xf32>
    %add3A_310 = arith.addf %convert_element_type3A_307, %add3A_309 : vector<256x1xf32>
    %eq3A_311 = vector.broadcast %concatenate3A_125 : vector<1x2048xf32> to vector<256x2048xf32>
    %eq3A_312 = vector.broadcast %slice3A_305 : vector<256x1xf32> to vector<256x2048xf32>
    %eq3A_313 = arith.cmpf oeq, %eq3A_311, %eq3A_312 : vector<256x2048xf32>
    %gt3A_314 = vector.broadcast %concatenate3A : vector<1x2048xf32> to vector<256x2048xf32>
    %gt3A_315 = vector.broadcast %slice3A_304 : vector<256x1xf32> to vector<256x2048xf32>
    %gt3A_316 = arith.cmpf ogt, %gt3A_314, %gt3A_315 : vector<256x2048xf32>
    %eq3A_317 = vector.broadcast %concatenate3A : vector<1x2048xf32> to vector<256x2048xf32>
    %eq3A_318 = vector.broadcast %slice3A_304 : vector<256x1xf32> to vector<256x2048xf32>
    %eq3A_319 = arith.cmpf oeq, %eq3A_317, %eq3A_318 : vector<256x2048xf32>
    %lt3A_320 = vector.broadcast %convert_element_type3A_127 : vector<1x2048xf32> to vector<256x2048xf32>
    %lt3A_321 = vector.broadcast %add3A_310 : vector<256x1xf32> to vector<256x2048xf32>
    %lt3A_322 = arith.cmpf olt, %lt3A_320, %lt3A_321 : vector<256x2048xf32>
    %and3A_323 = arith.andi %eq3A_319, %lt3A_322 : vector<256x2048xi1>
    %or3A_324 = arith.ori %gt3A_316, %and3A_323 : vector<256x2048xi1>
    %and3A_325 = arith.andi %eq3A_313, %or3A_324 : vector<256x2048xi1>
    %jit3A_326 = arith.constant 1.000000e+00 : f32
    %jit3A_327 = arith.constant 0.000000e+00 : f32
    %broadcast_in_dim3A_328 = vector.broadcast %jit3A_326 : f32 to vector<256x2048xf32>
    %broadcast_in_dim3A_329 = vector.broadcast %jit3A_327 : f32 to vector<256x2048xf32>
    %select_n3A_330 = arith.select %and3A_325, %broadcast_in_dim3A_328, %broadcast_in_dim3A_329 : vector<256x2048xi1>, vector<256x2048xf32>
    %reduce_sum3A_331 = arith.constant dense<0.000000e+00> : vector<256xf32>
    %reduce_sum3A_332 = vector.multi_reduction <add>, %select_n3A_330, %reduce_sum3A_331 [1] : vector<256x2048xf32> to vector<256xf32>
    %broadcast_in_dim3A_333 = vector.shape_cast %reduce_sum3A_332 : vector<256xf32> to vector<256x1xf32>
    %slice3A_334 = vector.extract_strided_slice %div3A_21 {offsets = [1792, 0], sizes = [256, 1], strides = [1, 1]} : vector<2048x1xf32> to vector<256x1xf32>
    %slice3A_335 = vector.extract_strided_slice %broadcast_in_dim3A_25 {offsets = [1792, 0], sizes = [256, 1], strides = [1, 1]} : vector<2048x1xf32> to vector<256x1xf32>
    %iota3A_336 = tpu.iota {dimensions = array<i32: 0>} : vector<256x1xi32>
    %convert_element_type3A_337 = arith.sitofp %iota3A_336 : vector<256x1xi32> to vector<256x1xf32>
    %add3A_338 = arith.constant 1.792000e+03 : f32
    %add3A_339 = vector.broadcast %add3A_338 : f32 to vector<256x1xf32>
    %add3A_340 = arith.addf %convert_element_type3A_337, %add3A_339 : vector<256x1xf32>
    %eq3A_341 = vector.broadcast %concatenate3A_125 : vector<1x2048xf32> to vector<256x2048xf32>
    %eq3A_342 = vector.broadcast %slice3A_335 : vector<256x1xf32> to vector<256x2048xf32>
    %eq3A_343 = arith.cmpf oeq, %eq3A_341, %eq3A_342 : vector<256x2048xf32>
    %gt3A_344 = vector.broadcast %concatenate3A : vector<1x2048xf32> to vector<256x2048xf32>
    %gt3A_345 = vector.broadcast %slice3A_334 : vector<256x1xf32> to vector<256x2048xf32>
    %gt3A_346 = arith.cmpf ogt, %gt3A_344, %gt3A_345 : vector<256x2048xf32>
    %eq3A_347 = vector.broadcast %concatenate3A : vector<1x2048xf32> to vector<256x2048xf32>
    %eq3A_348 = vector.broadcast %slice3A_334 : vector<256x1xf32> to vector<256x2048xf32>
    %eq3A_349 = arith.cmpf oeq, %eq3A_347, %eq3A_348 : vector<256x2048xf32>
    %lt3A_350 = vector.broadcast %convert_element_type3A_127 : vector<1x2048xf32> to vector<256x2048xf32>
    %lt3A_351 = vector.broadcast %add3A_340 : vector<256x1xf32> to vector<256x2048xf32>
    %lt3A_352 = arith.cmpf olt, %lt3A_350, %lt3A_351 : vector<256x2048xf32>
    %and3A_353 = arith.andi %eq3A_349, %lt3A_352 : vector<256x2048xi1>
    %or3A_354 = arith.ori %gt3A_346, %and3A_353 : vector<256x2048xi1>
    %and3A_355 = arith.andi %eq3A_343, %or3A_354 : vector<256x2048xi1>
    %jit3A_356 = arith.constant 1.000000e+00 : f32
    %jit3A_357 = arith.constant 0.000000e+00 : f32
    %broadcast_in_dim3A_358 = vector.broadcast %jit3A_356 : f32 to vector<256x2048xf32>
    %broadcast_in_dim3A_359 = vector.broadcast %jit3A_357 : f32 to vector<256x2048xf32>
    %select_n3A_360 = arith.select %and3A_355, %broadcast_in_dim3A_358, %broadcast_in_dim3A_359 : vector<256x2048xi1>, vector<256x2048xf32>
    %reduce_sum3A_361 = arith.constant dense<0.000000e+00> : vector<256xf32>
    %reduce_sum3A_362 = vector.multi_reduction <add>, %select_n3A_360, %reduce_sum3A_361 [1] : vector<256x2048xf32> to vector<256xf32>
    %broadcast_in_dim3A_363 = vector.shape_cast %reduce_sum3A_362 : vector<256xf32> to vector<256x1xf32>
    %concatenate3A_364 = tpu.concatenate %broadcast_in_dim3A_153, %broadcast_in_dim3A_183, %broadcast_in_dim3A_213, %broadcast_in_dim3A_243, %broadcast_in_dim3A_273, %broadcast_in_dim3A_303, %broadcast_in_dim3A_333, %broadcast_in_dim3A_363 in 0 : vector<256x1xf32>, vector<256x1xf32>, vector<256x1xf32>, vector<256x1xf32>, vector<256x1xf32>, vector<256x1xf32>, vector<256x1xf32>, vector<256x1xf32> -> vector<2048x1xf32>
    %lt3A_365 = arith.constant 3.600000e+01 : f32
    %lt3A_366 = vector.broadcast %lt3A_365 : f32 to vector<2048x1xf32>
    %lt3A_367 = arith.cmpf olt, %concatenate3A_364, %lt3A_366 : vector<2048x1xf32>
    %iota3A_368 = tpu.iota {dimensions = array<i32: 0>} : vector<64x2048xi32>
    %convert_element_type3A_369 = arith.sitofp %iota3A_368 : vector<64x2048xi32> to vector<64x2048xf32>
    %eq3A_370 = vector.broadcast %concatenate3A_125 : vector<1x2048xf32> to vector<64x2048xf32>
    %eq3A_371 = arith.cmpf oeq, %convert_element_type3A_369, %eq3A_370 : vector<64x2048xf32>
    %jit3A_372 = arith.constant 1.000000e+00 : f32
    %jit3A_373 = arith.constant 0.000000e+00 : f32
    %broadcast_in_dim3A_374 = vector.broadcast %jit3A_372 : f32 to vector<64x2048xf32>
    %broadcast_in_dim3A_375 = vector.broadcast %jit3A_373 : f32 to vector<64x2048xf32>
    %select_n3A_376 = arith.select %eq3A_371, %broadcast_in_dim3A_374, %broadcast_in_dim3A_375 : vector<64x2048xi1>, vector<64x2048xf32>
    %iota3A_377 = tpu.iota {dimensions = array<i32: 1>} : vector<2048x128xi32>
    %convert_element_type3A_378 = arith.sitofp %iota3A_377 : vector<2048x128xi32> to vector<2048x128xf32>
    %eq3A_379 = vector.broadcast %concatenate3A_364 : vector<2048x1xf32> to vector<2048x128xf32>
    %eq3A_380 = arith.cmpf oeq, %eq3A_379, %convert_element_type3A_378 : vector<2048x128xf32>
    %and3A_381 = vector.broadcast %lt3A_367 : vector<2048x1xi1> to vector<2048x128xi1>
    %and3A_382 = arith.andi %eq3A_380, %and3A_381 : vector<2048x128xi1>
    %jit3A_383 = arith.constant 1.000000e+00 : f32
    %jit3A_384 = arith.constant 0.000000e+00 : f32
    %broadcast_in_dim3A_385 = vector.broadcast %jit3A_383 : f32 to vector<2048x128xf32>
    %broadcast_in_dim3A_386 = vector.broadcast %jit3A_384 : f32 to vector<2048x128xf32>
    %select_n3A_387 = arith.select %and3A_382, %broadcast_in_dim3A_385, %broadcast_in_dim3A_386 : vector<2048x128xi1>, vector<2048x128xf32>
    %iota3A_388 = tpu.iota {dimensions = array<i32: 0>} : vector<2048x1xi32>
    %convert_element_type3A_389 = arith.sitofp %iota3A_388 : vector<2048x1xi32> to vector<2048x1xf32>
    %mul3A_390 = vector.broadcast %div3A_21 : vector<2048x1xf32> to vector<2048x128xf32>
    %mul3A_391 = arith.mulf %select_n3A_387, %mul3A_390 : vector<2048x128xf32>
    %dot_general3A_392 = arith.constant dense<0.000000e+00> : vector<64x128xf32>
    %dot_general3A_393 = tpu.matmul %select_n3A_376, %mul3A_391, %dot_general3A_392 {dimension_numbers = #tpu.dot_dimension_numbers<[1], [0], [0], [1], [0, 0, 1, 1], [], []>, transpose_lhs_hint = false} : vector<64x2048xf32>, vector<2048x128xf32>, vector<64x128xf32> -> vector<64x128xf32>
    %swap3A = arith.constant 0 : index
    %swap3A_394 = arith.constant 0 : index
    %swap3A_395 = vector.load %arg4[%swap3A, %swap3A_394] : memref<64x128xf32, #tpu.memory_space<vmem>>, vector<64x128xf32>
    tpu.vector_store %arg4[%swap3A, %swap3A_394], %dot_general3A_393 {strides = array<i32>} : memref<64x128xf32, #tpu.memory_space<vmem>>, vector<64x128xf32>,
    %mul3A_396 = vector.broadcast %convert_element_type3A_389 : vector<2048x1xf32> to vector<2048x128xf32>
    %mul3A_397 = arith.mulf %select_n3A_387, %mul3A_396 : vector<2048x128xf32>
    %dot_general3A_398 = arith.constant dense<0.000000e+00> : vector<64x128xf32>
    %dot_general3A_399 = tpu.matmul %select_n3A_376, %mul3A_397, %dot_general3A_398 {dimension_numbers = #tpu.dot_dimension_numbers<[1], [0], [0], [1], [0, 0, 1, 1], [], []>, transpose_lhs_hint = false} : vector<64x2048xf32>, vector<2048x128xf32>, vector<64x128xf32> -> vector<64x128xf32>
    %iota3A_400 = tpu.iota {dimensions = array<i32: 0>} : vector<64x128xi32>
    %mul3A_401 = arith.constant 40 : i32
    %mul3A_402 = vector.broadcast %mul3A_401 : i32 to vector<64x128xi32>
    %mul3A_403 = arith.muli %iota3A_400, %mul3A_402 : vector<64x128xi32>
    %iota3A_404 = tpu.iota {dimensions = array<i32: 1>} : vector<64x128xi32>
    %add3A_405 = arith.addi %mul3A_403, %iota3A_404 : vector<64x128xi32>
    %and3A_406 = arith.constant 2047 : i32
    %and3A_407 = vector.broadcast %and3A_406 : i32 to vector<64x128xi32>
    %and3A_408 = arith.andi %add3A_405, %and3A_407 : vector<64x128xi32>
    %gt3A_409 = arith.constant 0.000000e+00 : f32
    %gt3A_410 = vector.broadcast %gt3A_409 : f32 to vector<64x128xf32>
    %gt3A_411 = arith.cmpf ogt, %dot_general3A_393, %gt3A_410 : vector<64x128xf32>
    %convert_element_type3A_412 = arith.fptosi %dot_general3A_399 : vector<64x128xf32> to vector<64x128xi32>
    %select_n3A_413 = arith.select %gt3A_411, %convert_element_type3A_412, %and3A_408 : vector<64x128xi1>, vector<64x128xi32>
    %swap3A_414 = arith.constant 0 : index
    %swap3A_415 = arith.constant 0 : index
    %swap3A_416 = vector.load %arg3[%swap3A_414, %swap3A_415] : memref<64x128xi32, #tpu.memory_space<vmem>>, vector<64x128xi32>
    tpu.vector_store %arg3[%swap3A_414, %swap3A_415], %select_n3A_413 {strides = array<i32>} : memref<64x128xi32, #tpu.memory_space<vmem>>, vector<64x128xi32>,
    %iota3A_417 = tpu.iota {dimensions = array<i32: 0>} : vector<2048x1xi32>
    %and3A_418 = arith.constant 63 : i32
    %and3A_419 = vector.broadcast %and3A_418 : i32 to vector<2048x1xi32>
    %and3A_420 = arith.andi %iota3A_417, %and3A_419 : vector<2048x1xi32>
    %mul3A_421 = arith.constant 40 : i32
    %mul3A_422 = vector.broadcast %mul3A_421 : i32 to vector<2048x1xi32>
    %mul3A_423 = arith.muli %and3A_420, %mul3A_422 : vector<2048x1xi32>
    %add3A_424 = arith.constant 36 : i32
    %add3A_425 = vector.broadcast %add3A_424 : i32 to vector<2048x1xi32>
    %add3A_426 = arith.addi %mul3A_423, %add3A_425 : vector<2048x1xi32>
    %shift_right_arithmetic3A = arith.constant 6 : i32
    %shift_right_arithmetic3A_427 = vector.broadcast %shift_right_arithmetic3A : i32 to vector<2048x1xi32>
    %shift_right_arithmetic3A_428 = arith.shrsi %iota3A_417, %shift_right_arithmetic3A_427 : vector<2048x1xi32>
    %and3A_429 = arith.constant 3 : i32
    %and3A_430 = vector.broadcast %and3A_429 : i32 to vector<2048x1xi32>
    %and3A_431 = arith.andi %shift_right_arithmetic3A_428, %and3A_430 : vector<2048x1xi32>
    %add3A_432 = arith.addi %add3A_426, %and3A_431 : vector<2048x1xi32>
    %mul3A_433 = arith.constant 4.000000e+01 : f32
    %mul3A_434 = vector.broadcast %mul3A_433 : f32 to vector<2048x1xf32>
    %mul3A_435 = arith.mulf %broadcast_in_dim3A_25, %mul3A_434 : vector<2048x1xf32>
    %add3A_436 = arith.addf %mul3A_435, %concatenate3A_364 : vector<2048x1xf32>
    %convert_element_type3A_437 = arith.fptosi %add3A_436 : vector<2048x1xf32> to vector<2048x1xi32>
    %select_n3A_438 = arith.select %lt3A_367, %convert_element_type3A_437, %add3A_432 : vector<2048x1xi1>, vector<2048x1xi32>
    %swap3A_439 = arith.constant 0 : index
    %swap3A_440 = arith.constant 0 : index
    %swap3A_441 = vector.load %arg5[%swap3A_439, %swap3A_440] : memref<2048x1xi32, #tpu.memory_space<vmem>>, vector<2048x1xi32>
    tpu.vector_store %arg5[%swap3A_439, %swap3A_440], %select_n3A_438 {strides = array<i32>} : memref<2048x1xi32, #tpu.memory_space<vmem>>, vector<2048x1xi32>,
    %eq3A_442 = vector.broadcast %broadcast_in_dim3A_25 : vector<2048x1xf32> to vector<2048x64xf32>
    %eq3A_443 = arith.cmpf oeq, %convert_element_type3A, %eq3A_442 : vector<2048x64xf32>
    %jit3A_444 = arith.constant 1.000000e+00 : f32
    %jit3A_445 = arith.constant 0.000000e+00 : f32
    %broadcast_in_dim3A_446 = vector.broadcast %jit3A_444 : f32 to vector<2048x64xf32>
    %broadcast_in_dim3A_447 = vector.broadcast %jit3A_445 : f32 to vector<2048x64xf32>
    %select_n3A_448 = arith.select %eq3A_443, %broadcast_in_dim3A_446, %broadcast_in_dim3A_447 : vector<2048x64xi1>, vector<2048x64xf32>
    %reduce_sum3A_449 = arith.constant dense<0.000000e+00> : vector<64xf32>
    %reduce_sum3A_450 = vector.multi_reduction <add>, %select_n3A_448, %reduce_sum3A_449 [0] : vector<2048x64xf32> to vector<64xf32>
    %broadcast_in_dim3A_451 = vector.shape_cast %reduce_sum3A_450 : vector<64xf32> to vector<1x64xf32>
    %reduce_sum3A_452 = arith.constant dense<0.000000e+00> : vector<64xf32>
    %reduce_sum3A_453 = vector.multi_reduction <add>, %div3A_14, %reduce_sum3A_452 [0] : vector<2048x64xf32> to vector<64xf32>
    %broadcast_in_dim3A_454 = vector.shape_cast %reduce_sum3A_453 : vector<64xf32> to vector<1x64xf32>
    %mul3A_455 = arith.mulf %broadcast_in_dim3A_451, %broadcast_in_dim3A_454 : vector<1x64xf32>
    %reduce_sum3A_456 = arith.constant dense<0.000000e+00> : vector<1xf32>
    %reduce_sum3A_457 = vector.multi_reduction <add>, %mul3A_455, %reduce_sum3A_456 [1] : vector<1x64xf32> to vector<1xf32>
    %broadcast_in_dim3A_458 = vector.shape_cast %reduce_sum3A_457 : vector<1xf32> to vector<1x1xf32>
    %mul3A_459 = arith.constant 1.52587887E-7 : f32
    %mul3A_460 = vector.broadcast %mul3A_459 : f32 to vector<1x1xf32>
    %mul3A_461 = arith.mulf %broadcast_in_dim3A_458, %mul3A_460 : vector<1x1xf32>
    %swap3A_462 = arith.constant 0 : index
    %swap3A_463 = arith.constant 0 : index
    %swap3A_464 = vector.load %arg6[%swap3A_462, %swap3A_463] : memref<1x1xf32, #tpu.memory_space<vmem>>, vector<1x1xf32>
    tpu.vector_store %arg6[%swap3A_462, %swap3A_463], %mul3A_461 {strides = array<i32>} : memref<1x1xf32, #tpu.memory_space<vmem>>, vector<1x1xf32>,
    return
  }
}

module attributes {stable_mosaic.version = 14 : i64} {
  func.func @_expert_body(%arg0: i32, %arg1: memref<1x40x1024xf32, #tpu.memory_space<vmem>>, %arg2: memref<1x40x1xf32, #tpu.memory_space<vmem>>, %arg3: memref<1x512x1024xf32, #tpu.memory_space<vmem>>, %arg4: memref<1x1x512xf32, #tpu.memory_space<vmem>>, %arg5: memref<1x1024x512xf32, #tpu.memory_space<vmem>>, %arg6: memref<1x1x1024xf32, #tpu.memory_space<vmem>>, %arg7: memref<1x40x1024xf32, #tpu.memory_space<vmem>>) attributes {dimension_semantics = [#tpu.dimension_semantics<parallel>], iteration_bounds = array<i64: 32>, scalar_prefetch = 0 : i64, scratch_operands = 0 : i64, tpu.core_type = #tpu.core_type<tc>, window_params = [{transform_indices = @transform_0, window_bounds = array<i64: 1, 40, 1024>}, {transform_indices = @transform_1, window_bounds = array<i64: 1, 40, 1>}, {transform_indices = @transform_2, window_bounds = array<i64: 1, 512, 1024>}, {transform_indices = @transform_3, window_bounds = array<i64: 1, 1, 512>}, {transform_indices = @transform_4, window_bounds = array<i64: 1, 1024, 512>}, {transform_indices = @transform_5, window_bounds = array<i64: 1, 1, 1024>}, {transform_indices = @transform_6, window_bounds = array<i64: 1, 40, 1024>}]} {
    %get3A = arith.constant 0 : index
    %get3A_0 = arith.constant 0 : index
    %get3A_1 = arith.constant 0 : index
    %get3A_2 = vector.load %arg1[%get3A, %get3A_0, %get3A_1] : memref<1x40x1024xf32, #tpu.memory_space<vmem>>, vector<1x40x1024xf32>
    %get3A_3 = vector.shape_cast %get3A_2 : vector<1x40x1024xf32> to vector<40x1024xf32>
    %get3A_4 = arith.constant 0 : index
    %get3A_5 = arith.constant 0 : index
    %get3A_6 = arith.constant 0 : index
    %get3A_7 = vector.load %arg3[%get3A_4, %get3A_5, %get3A_6] : memref<1x512x1024xf32, #tpu.memory_space<vmem>>, vector<1x512x1024xf32>
    %get3A_8 = vector.shape_cast %get3A_7 : vector<1x512x1024xf32> to vector<512x1024xf32>
    %dot_general3A = arith.constant dense<0.000000e+00> : vector<40x512xf32>
    %dot_general3A_9 = tpu.matmul %get3A_3, %get3A_8, %dot_general3A {dimension_numbers = #tpu.dot_dimension_numbers<[1], [1], [0], [0], [0, 0, 1, 0], [], []>, transpose_lhs_hint = false} : vector<40x1024xf32>, vector<512x1024xf32>, vector<40x512xf32> -> vector<40x512xf32>
    %get3A_10 = arith.constant 0 : index
    %get3A_11 = arith.constant 0 : index
    %get3A_12 = arith.constant 0 : index
    %get3A_13 = vector.load %arg4[%get3A_10, %get3A_11, %get3A_12] : memref<1x1x512xf32, #tpu.memory_space<vmem>>, vector<1x1x512xf32>
    %get3A_14 = vector.shape_cast %get3A_13 : vector<1x1x512xf32> to vector<1x512xf32>
    %add3A = vector.broadcast %get3A_14 : vector<1x512xf32> to vector<40x512xf32>
    %add3A_15 = arith.addf %dot_general3A_9, %add3A : vector<40x512xf32>
    %mul3A = arith.constant 5.000000e-01 : f32
    %mul3A_16 = vector.broadcast %mul3A : f32 to vector<40x512xf32>
    %mul3A_17 = arith.mulf %add3A_15, %mul3A_16 : vector<40x512xf32>
    %mul3A_18 = arith.constant 0.707106769 : f32
    %mul3A_19 = vector.broadcast %mul3A_18 : f32 to vector<40x512xf32>
    %mul3A_20 = arith.mulf %add3A_15, %mul3A_19 : vector<40x512xf32>
    %erf3A = math.erf %mul3A_20 : vector<40x512xf32>
    %add3A_21 = arith.constant 1.000000e+00 : f32
    %add3A_22 = vector.broadcast %add3A_21 : f32 to vector<40x512xf32>
    %add3A_23 = arith.addf %add3A_22, %erf3A : vector<40x512xf32>
    %mul3A_24 = arith.mulf %mul3A_17, %add3A_23 : vector<40x512xf32>
    %get3A_25 = arith.constant 0 : index
    %get3A_26 = arith.constant 0 : index
    %get3A_27 = arith.constant 0 : index
    %get3A_28 = vector.load %arg5[%get3A_25, %get3A_26, %get3A_27] : memref<1x1024x512xf32, #tpu.memory_space<vmem>>, vector<1x1024x512xf32>
    %get3A_29 = vector.shape_cast %get3A_28 : vector<1x1024x512xf32> to vector<1024x512xf32>
    %dot_general3A_30 = arith.constant dense<0.000000e+00> : vector<40x1024xf32>
    %dot_general3A_31 = tpu.matmul %mul3A_24, %get3A_29, %dot_general3A_30 {dimension_numbers = #tpu.dot_dimension_numbers<[1], [1], [0], [0], [0, 0, 1, 0], [], []>, transpose_lhs_hint = false} : vector<40x512xf32>, vector<1024x512xf32>, vector<40x1024xf32> -> vector<40x1024xf32>
    %get3A_32 = arith.constant 0 : index
    %get3A_33 = arith.constant 0 : index
    %get3A_34 = arith.constant 0 : index
    %get3A_35 = vector.load %arg6[%get3A_32, %get3A_33, %get3A_34] : memref<1x1x1024xf32, #tpu.memory_space<vmem>>, vector<1x1x1024xf32>
    %get3A_36 = vector.shape_cast %get3A_35 : vector<1x1x1024xf32> to vector<1x1024xf32>
    %add3A_37 = vector.broadcast %get3A_36 : vector<1x1024xf32> to vector<40x1024xf32>
    %add3A_38 = arith.addf %dot_general3A_31, %add3A_37 : vector<40x1024xf32>
    %get3A_39 = arith.constant 0 : index
    %get3A_40 = arith.constant 0 : index
    %get3A_41 = arith.constant 0 : index
    %get3A_42 = vector.load %arg2[%get3A_39, %get3A_40, %get3A_41] : memref<1x40x1xf32, #tpu.memory_space<vmem>>, vector<1x40x1xf32>
    %get3A_43 = vector.shape_cast %get3A_42 : vector<1x40x1xf32> to vector<40x1xf32>
    %mul3A_44 = vector.broadcast %get3A_43 : vector<40x1xf32> to vector<40x1024xf32>
    %mul3A_45 = arith.mulf %add3A_38, %mul3A_44 : vector<40x1024xf32>
    %swap3A = arith.constant 0 : index
    %swap3A_46 = arith.constant 0 : index
    %swap3A_47 = arith.constant 0 : index
    %swap3A_48 = vector.load %arg7[%swap3A, %swap3A_46, %swap3A_47] : memref<1x40x1024xf32, #tpu.memory_space<vmem>>, vector<1x40x1024xf32>
    %swap3A_49 = vector.shape_cast %swap3A_48 : vector<1x40x1024xf32> to vector<40x1024xf32>
    %swap3A_50 = vector.shape_cast %mul3A_45 : vector<40x1024xf32> to vector<1x40x1024xf32>
    tpu.vector_store %arg7[%swap3A, %swap3A_46, %swap3A_47], %swap3A_50 {strides = array<i32>} : memref<1x40x1024xf32, #tpu.memory_space<vmem>>, vector<1x40x1024xf32>,
    return
  }
  func.func @transform_0(%arg0: i32) -> (i32, i32, i32) {
    %c0_i32 = arith.constant 0 : i32
    %c0_i32_0 = arith.constant 0 : i32
    %c0_i32_1 = arith.constant 0 : i32
    return %arg0, %c0_i32, %c0_i32_0 : i32, i32, i32
  }
  func.func @transform_1(%arg0: i32) -> (i32, i32, i32) {
    %add3A = arith.constant 0 : i32
    %add3A_0 = arith.addi %arg0, %add3A : i32
    %c0_i32 = arith.constant 0 : i32
    %c0_i32_1 = arith.constant 0 : i32
    %c0_i32_2 = arith.constant 0 : i32
    return %add3A_0, %c0_i32, %c0_i32_1 : i32, i32, i32
  }
  func.func @transform_2(%arg0: i32) -> (i32, i32, i32) {
    %add3A = arith.constant 0 : i32
    %add3A_0 = arith.addi %arg0, %add3A : i32
    %c0_i32 = arith.constant 0 : i32
    %c0_i32_1 = arith.constant 0 : i32
    %c0_i32_2 = arith.constant 0 : i32
    return %add3A_0, %c0_i32, %c0_i32_1 : i32, i32, i32
  }
  func.func @transform_3(%arg0: i32) -> (i32, i32, i32) {
    %add3A = arith.constant 0 : i32
    %add3A_0 = arith.addi %arg0, %add3A : i32
    %c0_i32 = arith.constant 0 : i32
    %c0_i32_1 = arith.constant 0 : i32
    %c0_i32_2 = arith.constant 0 : i32
    return %add3A_0, %c0_i32, %c0_i32_1 : i32, i32, i32
  }
  func.func @transform_4(%arg0: i32) -> (i32, i32, i32) {
    %add3A = arith.constant 0 : i32
    %add3A_0 = arith.addi %arg0, %add3A : i32
    %c0_i32 = arith.constant 0 : i32
    %c0_i32_1 = arith.constant 0 : i32
    %c0_i32_2 = arith.constant 0 : i32
    return %add3A_0, %c0_i32, %c0_i32_1 : i32, i32, i32
  }
  func.func @transform_5(%arg0: i32) -> (i32, i32, i32) {
    %add3A = arith.constant 0 : i32
    %add3A_0 = arith.addi %arg0, %add3A : i32
    %c0_i32 = arith.constant 0 : i32
    %c0_i32_1 = arith.constant 0 : i32
    %c0_i32_2 = arith.constant 0 : i32
    return %add3A_0, %c0_i32, %c0_i32_1 : i32, i32, i32
  }
  func.func @transform_6(%arg0: i32) -> (i32, i32, i32) {
    %add3A = arith.constant 0 : i32
    %add3A_0 = arith.addi %arg0, %add3A : i32
    %c0_i32 = arith.constant 0 : i32
    %c0_i32_1 = arith.constant 0 : i32
    %c0_i32_2 = arith.constant 0 : i32
    return %add3A_0, %c0_i32, %c0_i32_1 : i32, i32, i32
  }
}

module attributes {stable_mosaic.version = 14 : i64} {
  func.func @_expert_body_chained(%arg0: i32, %arg1: memref<64x40x1024xf32, #tpu.memory_space<any>>, %arg2: memref<1x40x1024xf32, #tpu.memory_space<vmem>>, %arg3: memref<1x40x1xf32, #tpu.memory_space<vmem>>, %arg4: memref<1x512x1024xf32, #tpu.memory_space<vmem>>, %arg5: memref<1x1x512xf32, #tpu.memory_space<vmem>>, %arg6: memref<1x1024x512xf32, #tpu.memory_space<vmem>>, %arg7: memref<1x1x1024xf32, #tpu.memory_space<vmem>>, %arg8: memref<1x40x1024xf32, #tpu.memory_space<vmem>>) attributes {dimension_semantics = [#tpu.dimension_semantics<parallel>], iteration_bounds = array<i64: 32>, scalar_prefetch = 0 : i64, scratch_operands = 0 : i64, tpu.core_type = #tpu.core_type<tc>, window_params = [{}, {transform_indices = @transform_1, window_bounds = array<i64: 1, 40, 1024>}, {transform_indices = @transform_2, window_bounds = array<i64: 1, 40, 1>}, {transform_indices = @transform_3, window_bounds = array<i64: 1, 512, 1024>}, {transform_indices = @transform_4, window_bounds = array<i64: 1, 1, 512>}, {transform_indices = @transform_5, window_bounds = array<i64: 1, 1024, 512>}, {transform_indices = @transform_6, window_bounds = array<i64: 1, 1, 1024>}, {transform_indices = @transform_7, window_bounds = array<i64: 1, 40, 1024>}]} {
    %get3A = arith.constant 0 : index
    %get3A_0 = arith.constant 0 : index
    %get3A_1 = arith.constant 0 : index
    %get3A_2 = vector.load %arg2[%get3A, %get3A_0, %get3A_1] : memref<1x40x1024xf32, #tpu.memory_space<vmem>>, vector<1x40x1024xf32>
    %get3A_3 = vector.shape_cast %get3A_2 : vector<1x40x1024xf32> to vector<40x1024xf32>
    %get3A_4 = arith.constant 0 : index
    %get3A_5 = arith.constant 0 : index
    %get3A_6 = arith.constant 0 : index
    %get3A_7 = vector.load %arg4[%get3A_4, %get3A_5, %get3A_6] : memref<1x512x1024xf32, #tpu.memory_space<vmem>>, vector<1x512x1024xf32>
    %get3A_8 = vector.shape_cast %get3A_7 : vector<1x512x1024xf32> to vector<512x1024xf32>
    %dot_general3A = arith.constant dense<0.000000e+00> : vector<40x512xf32>
    %dot_general3A_9 = tpu.matmul %get3A_3, %get3A_8, %dot_general3A {dimension_numbers = #tpu.dot_dimension_numbers<[1], [1], [0], [0], [0, 0, 1, 0], [], []>, transpose_lhs_hint = false} : vector<40x1024xf32>, vector<512x1024xf32>, vector<40x512xf32> -> vector<40x512xf32>
    %get3A_10 = arith.constant 0 : index
    %get3A_11 = arith.constant 0 : index
    %get3A_12 = arith.constant 0 : index
    %get3A_13 = vector.load %arg5[%get3A_10, %get3A_11, %get3A_12] : memref<1x1x512xf32, #tpu.memory_space<vmem>>, vector<1x1x512xf32>
    %get3A_14 = vector.shape_cast %get3A_13 : vector<1x1x512xf32> to vector<1x512xf32>
    %add3A = vector.broadcast %get3A_14 : vector<1x512xf32> to vector<40x512xf32>
    %add3A_15 = arith.addf %dot_general3A_9, %add3A : vector<40x512xf32>
    %mul3A = arith.constant 5.000000e-01 : f32
    %mul3A_16 = vector.broadcast %mul3A : f32 to vector<40x512xf32>
    %mul3A_17 = arith.mulf %add3A_15, %mul3A_16 : vector<40x512xf32>
    %mul3A_18 = arith.constant 0.707106769 : f32
    %mul3A_19 = vector.broadcast %mul3A_18 : f32 to vector<40x512xf32>
    %mul3A_20 = arith.mulf %add3A_15, %mul3A_19 : vector<40x512xf32>
    %erf3A = math.erf %mul3A_20 : vector<40x512xf32>
    %add3A_21 = arith.constant 1.000000e+00 : f32
    %add3A_22 = vector.broadcast %add3A_21 : f32 to vector<40x512xf32>
    %add3A_23 = arith.addf %add3A_22, %erf3A : vector<40x512xf32>
    %mul3A_24 = arith.mulf %mul3A_17, %add3A_23 : vector<40x512xf32>
    %get3A_25 = arith.constant 0 : index
    %get3A_26 = arith.constant 0 : index
    %get3A_27 = arith.constant 0 : index
    %get3A_28 = vector.load %arg6[%get3A_25, %get3A_26, %get3A_27] : memref<1x1024x512xf32, #tpu.memory_space<vmem>>, vector<1x1024x512xf32>
    %get3A_29 = vector.shape_cast %get3A_28 : vector<1x1024x512xf32> to vector<1024x512xf32>
    %dot_general3A_30 = arith.constant dense<0.000000e+00> : vector<40x1024xf32>
    %dot_general3A_31 = tpu.matmul %mul3A_24, %get3A_29, %dot_general3A_30 {dimension_numbers = #tpu.dot_dimension_numbers<[1], [1], [0], [0], [0, 0, 1, 0], [], []>, transpose_lhs_hint = false} : vector<40x512xf32>, vector<1024x512xf32>, vector<40x1024xf32> -> vector<40x1024xf32>
    %get3A_32 = arith.constant 0 : index
    %get3A_33 = arith.constant 0 : index
    %get3A_34 = arith.constant 0 : index
    %get3A_35 = vector.load %arg7[%get3A_32, %get3A_33, %get3A_34] : memref<1x1x1024xf32, #tpu.memory_space<vmem>>, vector<1x1x1024xf32>
    %get3A_36 = vector.shape_cast %get3A_35 : vector<1x1x1024xf32> to vector<1x1024xf32>
    %add3A_37 = vector.broadcast %get3A_36 : vector<1x1024xf32> to vector<40x1024xf32>
    %add3A_38 = arith.addf %dot_general3A_31, %add3A_37 : vector<40x1024xf32>
    %get3A_39 = arith.constant 0 : index
    %get3A_40 = arith.constant 0 : index
    %get3A_41 = arith.constant 0 : index
    %get3A_42 = vector.load %arg3[%get3A_39, %get3A_40, %get3A_41] : memref<1x40x1xf32, #tpu.memory_space<vmem>>, vector<1x40x1xf32>
    %get3A_43 = vector.shape_cast %get3A_42 : vector<1x40x1xf32> to vector<40x1xf32>
    %mul3A_44 = vector.broadcast %get3A_43 : vector<40x1xf32> to vector<40x1024xf32>
    %mul3A_45 = arith.mulf %add3A_38, %mul3A_44 : vector<40x1024xf32>
    %swap3A = arith.constant 0 : index
    %swap3A_46 = arith.constant 0 : index
    %swap3A_47 = arith.constant 0 : index
    %swap3A_48 = vector.load %arg8[%swap3A, %swap3A_46, %swap3A_47] : memref<1x40x1024xf32, #tpu.memory_space<vmem>>, vector<1x40x1024xf32>
    %swap3A_49 = vector.shape_cast %swap3A_48 : vector<1x40x1024xf32> to vector<40x1024xf32>
    %swap3A_50 = vector.shape_cast %mul3A_45 : vector<40x1024xf32> to vector<1x40x1024xf32>
    tpu.vector_store %arg8[%swap3A, %swap3A_46, %swap3A_47], %swap3A_50 {strides = array<i32>} : memref<1x40x1024xf32, #tpu.memory_space<vmem>>, vector<1x40x1024xf32>,
    return
  }
  func.func @transform_1(%arg0: i32) -> (i32, i32, i32) {
    %c0_i32 = arith.constant 0 : i32
    %c0_i32_0 = arith.constant 0 : i32
    %c0_i32_1 = arith.constant 0 : i32
    return %arg0, %c0_i32, %c0_i32_0 : i32, i32, i32
  }
  func.func @transform_2(%arg0: i32) -> (i32, i32, i32) {
    %add3A = arith.constant 32 : i32
    %add3A_0 = arith.addi %arg0, %add3A : i32
    %c0_i32 = arith.constant 0 : i32
    %c0_i32_1 = arith.constant 0 : i32
    %c0_i32_2 = arith.constant 0 : i32
    return %add3A_0, %c0_i32, %c0_i32_1 : i32, i32, i32
  }
  func.func @transform_3(%arg0: i32) -> (i32, i32, i32) {
    %add3A = arith.constant 32 : i32
    %add3A_0 = arith.addi %arg0, %add3A : i32
    %c0_i32 = arith.constant 0 : i32
    %c0_i32_1 = arith.constant 0 : i32
    %c0_i32_2 = arith.constant 0 : i32
    return %add3A_0, %c0_i32, %c0_i32_1 : i32, i32, i32
  }
  func.func @transform_4(%arg0: i32) -> (i32, i32, i32) {
    %add3A = arith.constant 32 : i32
    %add3A_0 = arith.addi %arg0, %add3A : i32
    %c0_i32 = arith.constant 0 : i32
    %c0_i32_1 = arith.constant 0 : i32
    %c0_i32_2 = arith.constant 0 : i32
    return %add3A_0, %c0_i32, %c0_i32_1 : i32, i32, i32
  }
  func.func @transform_5(%arg0: i32) -> (i32, i32, i32) {
    %add3A = arith.constant 32 : i32
    %add3A_0 = arith.addi %arg0, %add3A : i32
    %c0_i32 = arith.constant 0 : i32
    %c0_i32_1 = arith.constant 0 : i32
    %c0_i32_2 = arith.constant 0 : i32
    return %add3A_0, %c0_i32, %c0_i32_1 : i32, i32, i32
  }
  func.func @transform_6(%arg0: i32) -> (i32, i32, i32) {
    %add3A = arith.constant 32 : i32
    %add3A_0 = arith.addi %arg0, %add3A : i32
    %c0_i32 = arith.constant 0 : i32
    %c0_i32_1 = arith.constant 0 : i32
    %c0_i32_2 = arith.constant 0 : i32
    return %add3A_0, %c0_i32, %c0_i32_1 : i32, i32, i32
  }
  func.func @transform_7(%arg0: i32) -> (i32, i32, i32) {
    %add3A = arith.constant 32 : i32
    %add3A_0 = arith.addi %arg0, %add3A : i32
    %c0_i32 = arith.constant 0 : i32
    %c0_i32_1 = arith.constant 0 : i32
    %c0_i32_2 = arith.constant 0 : i32
    return %add3A_0, %c0_i32, %c0_i32_1 : i32, i32, i32
  }
}

</mosaic_0001>

<sc_bundles>
// kernel: kernel.11.cloned.1.call-start
scs
__scs_entry_jumppad:
0x0: {  	(pc) =	sbr.rel $0x88, $3  }
0x1: {  	(tag) =	ssettag $0x0;
	lr =	simm.s32 $0x1  }
0x2: {  	[smem:$0x3F9A] =	sst lr;
	_ =	strace $0xD0000000  }
0x3: {  	_ = 	snop  }
0x4: {  	_ = 	snop  }
0x5: {  	_ = 	snop  }
0x6: {  	_ = 	snop  }
0x7: {  	_ = 	snop  }
__scs_overlays_trampoline_lowered:
0x8: {  	[smem:$0x3FA9] =	sst s0  }
0x9: {  	[smem:$0x3FAA] =	sst s1  }
0xa: {  	[smem:$0x3FAB] =	sst s2  }
0xb: {  	[smem:$0x3FAC] =	sst s3  }
0xc: {  	[smem:$0x3FAD] =	sst s4  }
0xd: {  	[smem:$0x3FAE] =	sst s5  }
0xe: {  	[smem:$0x3FAF] =	sst s6  }
0xf: {  	[smem:$0x3FB0] =	sst s7  }
0x10: {  	[smem:$0x3FB1] =	sst s8  }
0x11: {  	[smem:$0x3FB2] =	sst s9;
	s0 =	simm.s32 @!p0 $0x0  }
0x12: {  	s1 =	sld [smem:$0x3F98];
	s0 =	simm.s32 @p0 $0x1  }
0x13: {  	[smem:$0x3FB3] =	sst s0;
	s0 =	simm.s32 @!p1 $0x0  }
0x14: {  	s2 =	sld [smem:$0x3F97];
	s0 =	simm.s32 @p1 $0x1  }
0x15: {  	[smem:$0x3FB4] =	sst s0;
	s0 =	simm.s32 @!p2 $0x0  }
0x16: {  	s3 =	sld [smem:$0x3FDB];
	s0 =	simm.s32 @p2 $0x1  }
0x17: {  	s4 =	simm.s32 $0x1BF5;
	[smem:$0x3FB6] =	sst s0  }
0x18: {  	s0 =	sld [smem:$0x3F99];
	_ =	swait.ge [sflag:s4], $0x0  }
0x19: {  	s7 =	sld [smem:$0x3F9A]  }
0x1a: {  	s8 =	sadd.s32 $0xFFFFE003, lr  }
0x1b: {  	s9 =	sadd.s32 $0xFFFFFEF7, lr;
	s5 =	simm.s32 $0xFFFFFFFF;
	p2 =	slt.u32 s8, $0xFFFFF086  }
0x1c: {  	p1 =	slt.u32 s9, $0xF7A;
	s5 =	simm.s32 @!p2 $0x0  }
0x1d: {  	s5 =	simm.s32 @p1 $0x1;
	p0 =	seq.s32 s7, s2  }
0x1e: {  	s7 =	smul.u32 @!p0 $0xF7A, s2;
	p2 =	seq.s32 @!p0 s5, $0x0  }
0x1f: {  	s9 =	smul.u32 $0xF7A, s1;
	s8 =	simm.s32 @!p0 $0x1BF5;
	p2 =	por !p2, p0  }
0x20: {  	[sflag:s8] =	ssyncset.s32 @!p0 $0xFFFFF086;
	s6 =	sadd.s32 @!p0 s3, s7;
	s7 =	simm.s32 @!p0 $0x108  }
0x21: {  	s3 =	sadd.s32 s3, s9;
	s6 =	sadd.s32 @!p0 $0x88, s6;
	s7 =	simm.s32 @p2 $0x1082  }
0x22: {  	[simem:s7], [sflag:s8] =	dma.local @!p0 [hbm:s6], $0xF7A  }
0x23: {  	s9 =	sor.u32 $0xD0000000, s2;
	s6 =	simm.s32 $0x108;
	_ =	swait.ge @!p0 [sflag:s8], $0x0  }
0x24: {  	s3 =	sadd.s32 $0x88, s3;
	s6 =	simm.s32 @!p1 $0x1082;
	[sflag:s4] =	ssyncset.s32 $0xFFFFF086  }
0x25: {  	[simem:s6], [sflag:s4] =	dma.local [hbm:s3], $0xF7A  }
0x26: {  	[smem:$0x3F9A] =	sst s1;
	(tag) =	ssettag s2;
	_ =	strace s9  }
0x27: {  	s1 =	sld [smem:$0x3FAA]  }
0x28: {  	s2 =	sld [smem:$0x3FAB]  }
0x29: {  	s4 =	sld [smem:$0x3FAD]  }
0x2a: {  	p0 =	seq.s32 s5, $0x0;
	s5 =	sld [smem:$0x3FAE]  }
0x2b: {  	s6 =	sld [smem:$0x3FAF]  }
0x2c: {  	s7 =	sld [smem:$0x3FB0]  }
0x2d: {  	s3 =	simm.s32 $0x108;
	s8 =	sld [smem:$0x3FB1]  }
0x2e: {  	s3 =	simm.s32 @!p0 $0x1082;
	s9 =	sld [smem:$0x3FB2]  }
0x2f: {  	lr =	sadd.s32 s0, s3;
	s0 =	sld [smem:$0x3FA9]  }
0x30: {  	s3 =	sld [smem:$0x3FAC]  }
0x31: {  	[smem:$0x3FB5] =	sst s10  }
0x32: {  	s10 =	sld [smem:$0x3FB3];
	_ =	sdelay $0x3  }
0x33: {  	p0 =	seq.s32 s10, $0x1;
	s10 =	sld [smem:$0x3FB5];
	_ =	sdelay $0x3  }
0x34: {  	[smem:$0x3FB5] =	sst s10  }
0x35: {  	s10 =	sld [smem:$0x3FB4];
	_ =	sdelay $0x3  }
0x36: {  	p1 =	seq.s32 s10, $0x1;
	s10 =	sld [smem:$0x3FB5];
	_ =	sdelay $0x3  }
0x37: {  	[smem:$0x3FB5] =	sst s10  }
0x38: {  	s10 =	sld [smem:$0x3FB6]  }
0x39: {  	_ = 	snop;
	(pc) =	sbr.ind lr, $3  }
0x3a: {  	_ = 	snop  }
0x3b: {  	_ = 	snop  }
0x3c: {  	p2 =	seq.s32 s10, $0x1;
	s10 =	sld [smem:$0x3FB5]  }
0x3d: {  	_ =	shalt  }
0x3e: {  	_ =	shalt  }
0x3f: {  	_ =	shalt  }
0x40: {  	_ =	shalt  }
0x41: {  	_ =	shalt  }
0x42: {  	_ =	shalt  }
0x43: {  	_ =	shalt  }
0x44: {  	_ =	shalt  }
0x45: {  	_ =	shalt  }
0x46: {  	_ =	shalt  }
0x47: {  	_ =	shalt  }
0x48: {  	_ =	shalt  }
0x49: {  	_ =	shalt  }
0x4a: {  	_ =	shalt  }
0x4b: {  	_ =	shalt  }
0x4c: {  	_ =	shalt  }
0x4d: {  	_ =	shalt  }
0x4e: {  	_ =	shalt  }
0x4f: {  	_ =	shalt  }
0x50: {  	_ =	shalt  }
0x51: {  	_ =	shalt  }
0x52: {  	_ =	shalt  }
0x53: {  	_ =	shalt  }
0x54: {  	_ =	shalt  }
0x55: {  	_ =	shalt  }
0x56: {  	_ =	shalt  }
0x57: {  	_ =	shalt  }
0x58: {  	_ =	shalt  }
0x59: {  	_ =	shalt  }
0x5a: {  	_ =	shalt  }
0x5b: {  	_ =	shalt  }
0x5c: {  	_ =	shalt  }
0x5d: {  	_ =	shalt  }
0x5e: {  	_ =	shalt  }
0x5f: {  	_ =	shalt  }
0x60: {  	_ =	shalt  }
0x61: {  	_ =	shalt  }
0x62: {  	_ =	shalt  }
0x63: {  	_ =	shalt  }
0x64: {  	_ =	shalt  }
0x65: {  	_ =	shalt  }
0x66: {  	_ =	shalt  }
0x67: {  	_ =	shalt  }
0x68: {  	_ =	shalt  }
0x69: {  	_ =	shalt  }
0x6a: {  	_ =	shalt  }
0x6b: {  	_ =	shalt  }
0x6c: {  	_ =	shalt  }
0x6d: {  	_ =	shalt  }
0x6e: {  	_ =	shalt  }
0x6f: {  	_ =	shalt  }
0x70: {  	_ =	shalt  }
0x71: {  	_ =	shalt  }
0x72: {  	_ =	shalt  }
0x73: {  	_ =	shalt  }
0x74: {  	_ =	shalt  }
0x75: {  	_ =	shalt  }
0x76: {  	_ =	shalt  }
0x77: {  	_ =	shalt  }
0x78: {  	_ =	shalt  }
0x79: {  	_ =	shalt  }
0x7a: {  	_ =	shalt  }
0x7b: {  	_ =	shalt  }
0x7c: {  	_ =	shalt  }
0x7d: {  	_ =	shalt  }
0x7e: {  	_ =	shalt  }
0x7f: {  	_ =	shalt  }
0x80: {  	_ =	shalt  }
0x81: {  	_ =	shalt  }
0x82: {  	_ =	shalt  }
0x83: {  	_ =	shalt  }
0x84: {  	_ =	shalt  }
0x85: {  	_ =	shalt  }
0x86: {  	_ =	shalt  }
0x87: {  	_ =	shalt  }
.Lfunc_end0:
.L_simem_size_0:
called_computation.1_lowered:
.L_overlay_start_0:
0x88: {  	s2 =	sld [smem:$0x3FD9]  }
0x89: {  	s3 =	sld [smem:$0x3FFE];
	_ =	sdelay $0x1  }
0x8a: {  	s1 =	srdreg.scid  }
0x8b: {  	s0 =	sand.u32 $0x1, s1  }
0x8c: {  	s15 =	sshll.u32 s0, $0xA;
	s2 =	sadd.s32 s3, s2  }
0x8d: {  	s2 =	sadd.s32 s2, s15  }
0x8e: {  	[smem:$0x3FC1] =	sst s2  }
0x8f: {  	_ = 	snop  }
0x90: {  	s16 =	sld [smem:$0x3FD0];
	_ =	sdelay $0x2  }
0x91: {  	s4 =	simm.s32 $0xB;
	s5 =	simm.s32 $0x10;
	s2 =	sld [smem:$0x3FC9]  }
0x92: {  	[smem:s5], [sflag:s4] =	dma.local [hbm:s16], $0x1  }
0x93: {  	_ =	swait.eq [sflag:s4], $0x1  }
0x94: {  	[sflag:s4] =	ssyncset.done $0x0  }
0x95: {  	[sflag:s4] =	ssyncadd.s32 $0xFFFFFFFF  }
0x96: {  	s17 =	sld [smem:$0x10];
	(tm) =	ssettm $0x1  }
0x97: {  	s18 =	sld [smem:$0x3FFB];
	_ =	sdelay $0x3  }
0x98: {  	_ =	strace s18  }
0x99: {  	s3 =	sld [smem:$0x3FFC];
	_ =	sdelay $0x3  }
0x9a: {  	_ =	strace s3  }
0x9b: {  	s3 =	sld [smem:$0x3FFD];
	_ =	sdelay $0x3  }
0x9c: {  	_ =	strace s3  }
0x9d: {  	_ =	strace $0x8FFFFFFF  }
0x9e: {  	s19 =	sld [smem:$0x3FDB];
	_ =	sdelay $0x1  }
0x9f: {  	s20 =	simm.s32 $_scs_section_size  }
0xa0: {  	s6 =	simm.s32 $_size__tile_overlayer_lowered;
	s7 =	simm.s32 $_tile_overlayer_lowered  }
0xa1: {  	s8 =	simm.s32 $0x1BFF;
	s21 =	sshll.u32 s7, $0x1;
	s5 =	sadd.s32 s20, s19  }
0xa2: {  	s22 =	simm.s32 $0x0;
	s6 =	sshll.u32 s6, $0x1;
	s7 =	sadd.s32 s21, s5  }
0xa3: {  	[timem:s22], [sflag:s8] =	dma.local [hbm:s7], s6  }
0xa4: {  	_ =	swait.ge [sflag:s8], s6  }
0xa5: {  	s6 =	ssub.s32 $0x0, s6;
	[sflag:s8] =	ssyncset.done $0x0  }
0xa6: {  	[sflag:s8] =	ssyncadd.s32 s6;
	_ =	sdelay $0x1  }
0xa7: {  	s23 =	simm.s32 $0x1B8B  }
0xa8: {  	_ =	swait.ge [sflag:s23], $0x1  }
0xa9: {  	[sflag:s23] =	ssyncset.done $0x0  }
0xaa: {  	[sflag:s23] =	ssyncadd.s32 $0xFFFFFFFF  }
0xab: {  	s6 =	sld [smem:$0x0]  }
0xac: {  	s7 =	sand.u32 $0xFFFFFFFE, s1  }
0xad: {  	p0 =	sne.s32 s1, s7  }
0xae: {  	s7 =	sshll.u32 @p0 s7, $0xE  }
0xaf: {  	s7 =	sadd.s32 @p0 $0x11B8D, s7;
	s8 =	sshll.u32 @p0 s6, $0x11  }
0xb0: {  	s7 =	sor.u32 @p0 s8, s7  }
0xb1: {  	[sflag:s7] =	ssyncadd.remote.s32 @p0 $0x1;
	_ =	sdelay $0x1  }
0xb2: {  	s7 =	simm.s32 @p0 $0x1B8D  }
0xb3: {  	_ =	swait.eq @p0 [sflag:s7], $0x1  }
0xb4: {  	[sflag:s7] =	ssyncadd.s32 @p0 $0xFFFFFFFF  }
0xb5: {  	s8 =	sshll.u32 @!p0 s1, $0xE  }
0xb6: {  	s8 =	sor.u32 @!p0 $0x4000, s8;
	s7 =	simm.s32 @!p0 $0x1B8D  }
0xb7: {  	s6 =	sshll.u32 @!p0 s6, $0x11;
	s8 =	sadd.s32 @!p0 $0x11B8D, s8;
	_ =	swait.eq @!p0 [sflag:s7], $0x1  }
0xb8: {  	s6 =	sor.u32 @!p0 s6, s8;
	[sflag:s7] =	ssyncadd.s32 @!p0 $0xFFFFFFFF  }
0xb9: {  	s25 =	simm.s32 $0x1B8E;
	s24 =	sld [smem:$0x3FFE];
	[sflag:s6] =	ssyncadd.remote.s32 @!p0 $0x1  }
0xba: {  	s26 =	simm.s32 $execute0_lowered;
	[smem:$0x3FD2] =	sst s25  }
0xbb: {  	s7 =	sshll.u32 s26, $0x1;
	_ =	strace $0x80000049;
	[dreg:$0x1] =	wrdreg $0xFFFFFFFF  }
0xbc: {  	s28 =	simm.s32 $_size_execute0_lowered;
	s5 =	sadd.s32 s5, s7;
	[dreg:$0x0] =	wrdreg $0x0  }
0xbd: {  	s7 =	sshll.u32 s28, $0x1;
	[dreg:$0x2] =	wrdreg s5  }
0xbe: {  	[dreg:$0x3] =	wrdreg s7  }
0xbf: {  	[dreg:$0x4] =	wrdreg $0xC0  }
0xc0: {  	_ =	task [dreg:s22], $0x5FFFF  }
0xc1: {  	[dreg:$0x1] =	wrdreg $0xFFFFFFFF  }
0xc2: {  	[dreg:$0x0] =	wrdreg $0x60  }
0xc3: {  	[dreg:$0x2] =	wrdreg s2  }
0xc4: {  	[dreg:$0x3] =	wrdreg s24  }
0xc5: {  	[dreg:$0x4] =	wrdreg s17  }
0xc6: {  	[dreg:$0x5] =	wrdreg $0xA  }
0xc7: {  	_ =	task.clear_ibuf [dreg:s22], $0x6FFFF;
	_ =	strace $0x90000049  }
0xc8: {  	s29 =	simm.s32 $0xA;
	_ =	strace $0x8000004B  }
0xc9: {  	_ =	swait.ge [sflag:s29], $0x1  }
0xca: {  	[sflag:s29] =	ssyncadd.s32 $0xFFFFFFFF  }
0xcb: {  	_ =	strace $0x9000004B  }
0xcc: {  	_ =	sfence  }
0xcd: {  	s30 =	sld [smem:$0x0];
	_ =	sdelay $0x2  }
0xce: {  	s31 =	sshll.u32 s1, $0xD;
	s1 =	sshrl.u32 s1, $0x2  }
0xcf: {  	s4 =	sand.u32 $0x4000, s31;
	s1 =	sadd.s32 s1, s30  }
0xd0: {  	s0 =	sor.u32 s4, s0;
	s1 =	sshll.u32 s1, $0x11  }
0xd1: {  	s0 =	sor.u32 s1, s0  }
0xd2: {  	s0 =	sadd.s32 $0x8F2B, s0  }
0xd3: {  	[sflag:s0] =	ssyncadd.remote.s32 $0x1  }
0xd4: {  	_ =	sfence.sel $0xFFFF  }
0xd5: {  	[dreg:$0x0] =	wrdreg $0xFFFFFFFF;
	(pc) =	sbr.abs _section_cstart, $3  }
0xd6: {  	[dreg:$0x1] =	wrdreg $0xFFFFFFFF  }
0xd7: {  	_ =	task.clear_ibuf [dreg:s22], $0x2FFFF;
	_ =	strace $0x9FFFFFFF  }
0xd8: {  	(tm) =	ssettm $0x7FFFFFFF  }
0xd9: {  	_ =	shalt  }
tec
execute0_lowered:
.L_overlay_start_1:
0x0: {  	(tag) =	ssettag $0x1  }
0x1: {  	s2 =	srdreg.scid;
	s1 =	rddreg [dreg:$0x0]  }
0x2: {  	s0 =	stileid.u32;
	s5 =	rddreg [dreg:$0x1]  }
0x3: {  	s7 =	rddreg [dreg:$0x2];
	s3 =	simm.s32 $0x0;
	s10 =	simm.s32 $0x80  }
0x4: {  	s11 =	simm.s32 $0x880;
	s12 =	simm.s32 $0x1080;
	s13 =	simm.s32 $0x1880  }
0x5: {  	s14 =	simm.s32 $0x2080;
	s15 =	simm.s32 $0x2880;
	s16 =	simm.s32 $0x3080  }
0x6: {  	s17 =	simm.s32 $0x3880;
	s18 =	simm.s32 $0x4080;
	s19 =	simm.s32 $0x4880  }
0x7: {  	s20 =	simm.s32 $0x5080;
	s21 =	simm.s32 $0x5880;
	s22 =	simm.s32 $0x6080  }
0x8: {  	s23 =	simm.s32 $0x6880;
	s24 =	simm.s32 $0x7080;
	s28 =	simm.s32 $0x8880  }
0x9: {  	s29 =	simm.s32 $0x9080;
	s4 =	sand.u32 $0x1, s2;
	s25 =	sshll.u32 s0, $0x1  }
0xa: {  	s30 =	simm.s32 $0x9880;
	s31 =	simm.s32 $0x1;
	s6 =	sor.u32 s4, s25  }
0xb: {  	[smem:$0x7FF] =	sst s3;
	s4 =	ssub.s32 $0x2, s4;
	s8 =	smul.u32 $0x5, s6  }
0xc: {  	_ =	strace $0x8000004A;
	s25 =	simm.s32 $0x7880;
	s9 =	smul.u32 $0x1400, s6  }
0xd: {  	s26 =	sshrl.u32 s4, $0x1;
	s6 =	sadd.s32 $0x300, s1;
	s5 =	sadd.s32 s8, s5  }
0xe: {  	v2 =	vlaneseq.u32;
	s8 =	ssub.s32 s4, s26;
	s4 =	sadd.s32 $0x100, s1;
	s7 =	sadd.s32 s7, s9  }
0xf: {  	vm0 =	vmmov $0xffff;
	v1 =	vshrl.u32 v2, $0x3;
	s9 =	simm.s32 $0x2;
	s26 =	simm.s32 $0x8080;
	s5 =	sadd.s32 $0x29A00, s5  }
0x10: {  	v0 =	vand.u32 $0x7, v2;
	v2 =	vor.u32 $0x8, v2;
	v1 =	vmul.u32 $0x8, v1;
	s8 =	smax.u32 s8, $0x1;
	[dreg:$0x4] =	wrdreg s5;
	s5 =	sadd.s32 $0x200, s1  }
.LBB2_1:
0x11: {  	s2 =	rddreg [dreg:$0x4]  }
0x12: {  	[tilespmem:s3], [sflag:$0x2] =	stream.linear.gather [hbm4b:s2+s3], $0x28, $0x38;
	[tilespmem:$0xA080] =	vst v63  }
0x13: {  	_ =	swait.ge [sflag:s9], $0x28  }
0x14: {  	[sflag:s9] =	ssyncset.done $0x0  }
0x15: {  	[sflag:s9] =	ssyncadd.s32 $0xFFFFFFD8  }
0x16: {  	v3 =	vld [tilespmem:$0x0];
	_ =	sdelay $0x4  }
0x17: {  	v4 =	vshll.u32 v3, $0x3  }
0x18: {  	v3 =	vand.u32 $0x7, v3;
	v4 =	vand.u32 $0xFFFFFFC0, v4  }
0x19: {  	v3 =	vor.u32 v3, v4  }
0x1a: {  	v4 =	vperm.xlane v3, v0;
	_ =	sdelay $0x1  }
0x1b: {  	v4 =	vadd.s32 v1, v4;
	_ =	sdelay $0x4  }
0x1c: {  	[tilespmem:s10], [sflag:$0x1] =	stream.indirect_vreg.gather [hbm4b:s1+s3], $0x80, v4, vm0, $0xb8;
	[tilespmem:$0xA080] =	vst v63  }
0x1d: {  	v3 =	vperm.xlane v3, v2  }
0x1e: {  	[tilespmem:s11], [sflag:$0x1] =	stream.indirect_vreg.gather [hbm4b:s4+s3], $0x80, v4, vm0, $0xb8;
	[tilespmem:$0xA080] =	vst v63  }
0x1f: {  	v3 =	vadd.s32 v1, v3  }
0x20: {  	[tilespmem:s12], [sflag:$0x1] =	stream.indirect_vreg.gather [hbm4b:s5+s3], $0x80, v4, vm0, $0xb8;
	[tilespmem:$0xA080] =	vst v63  }
0x21: {  	_ = 	snop  }
0x22: {  	[tilespmem:s13], [sflag:$0x1] =	stream.indirect_vreg.gather [hbm4b:s6+s3], $0x80, v4, vm0, $0xb8;
	[tilespmem:$0xA080] =	vst v63  }
0x23: {  	_ = 	snop  }
0x24: {  	[tilespmem:s14], [sflag:$0x1] =	stream.indirect_vreg.gather [hbm4b:s1+s3], $0x80, v3, vm0, $0xb8;
	[tilespmem:$0xA080] =	vst v63  }
0x25: {  	_ = 	snop  }
0x26: {  	[tilespmem:s15], [sflag:$0x1] =	stream.indirect_vreg.gather [hbm4b:s4+s3], $0x80, v3, vm0, $0xb8;
	[tilespmem:$0xA080] =	vst v63  }
0x27: {  	_ = 	snop  }
0x28: {  	[tilespmem:s16], [sflag:$0x1] =	stream.indirect_vreg.gather [hbm4b:s5+s3], $0x80, v3, vm0, $0xb8;
	[tilespmem:$0xA080] =	vst v63  }
0x29: {  	_ = 	snop  }
0x2a: {  	[tilespmem:s17], [sflag:$0x1] =	stream.indirect_vreg.gather [hbm4b:s6+s3], $0x80, v3, vm0, $0xb8;
	[tilespmem:$0xA080] =	vst v63  }
0x2b: {  	v3 =	vld [tilespmem:$0x10];
	_ =	sdelay $0x4  }
0x2c: {  	v62 =	vshll.u32 v3, $0x3  }
0x2d: {  	v3 =	vand.u32 $0x7, v3;
	v4 =	vand.u32 $0xFFFFFFC0, v62  }
0x2e: {  	v3 =	vor.u32 v3, v4  }
0x2f: {  	v4 =	vperm.xlane v3, v0;
	_ =	sdelay $0x1  }
0x30: {  	v4 =	vadd.s32 v1, v4;
	_ =	sdelay $0x4  }
0x31: {  	[tilespmem:s18], [sflag:$0x1] =	stream.indirect_vreg.gather [hbm4b:s1+s3], $0x80, v4, vm0, $0xb8;
	[tilespmem:$0xA080] =	vst v63  }
0x32: {  	v3 =	vperm.xlane v3, v2  }
0x33: {  	[tilespmem:s19], [sflag:$0x1] =	stream.indirect_vreg.gather [hbm4b:s4+s3], $0x80, v4, vm0, $0xb8;
	[tilespmem:$0xA080] =	vst v63  }
0x34: {  	v3 =	vadd.s32 v1, v3  }
0x35: {  	[tilespmem:s20], [sflag:$0x1] =	stream.indirect_vreg.gather [hbm4b:s5+s3], $0x80, v4, vm0, $0xb8;
	[tilespmem:$0xA080] =	vst v63  }
0x36: {  	_ = 	snop  }
0x37: {  	[tilespmem:s21], [sflag:$0x1] =	stream.indirect_vreg.gather [hbm4b:s6+s3], $0x80, v4, vm0, $0xb8;
	[tilespmem:$0xA080] =	vst v63  }
0x38: {  	_ = 	snop  }
0x39: {  	[tilespmem:s22], [sflag:$0x1] =	stream.indirect_vreg.gather [hbm4b:s1+s3], $0x80, v3, vm0, $0xb8;
	[tilespmem:$0xA080] =	vst v63  }
0x3a: {  	_ = 	snop  }
0x3b: {  	[tilespmem:s23], [sflag:$0x1] =	stream.indirect_vreg.gather [hbm4b:s4+s3], $0x80, v3, vm0, $0xb8;
	[tilespmem:$0xA080] =	vst v63  }
0x3c: {  	_ = 	snop  }
0x3d: {  	[tilespmem:s24], [sflag:$0x1] =	stream.indirect_vreg.gather [hbm4b:s5+s3], $0x80, v3, vm0, $0xb8;
	[tilespmem:$0xA080] =	vst v63  }
0x3e: {  	_ = 	snop  }
0x3f: {  	[tilespmem:s25], [sflag:$0x1] =	stream.indirect_vreg.gather [hbm4b:s6+s3], $0x80, v3, vm0, $0xb8;
	[tilespmem:$0xA080] =	vst v63  }
0x40: {  	v3 =	vld.msk [tilespmem:$0x20], $0xff;
	_ =	sdelay $0x4  }
0x41: {  	v63 =	vshll.u32 v3, $0x3  }
0x42: {  	v3 =	vand.u32 $0x7, v3;
	v4 =	vand.u32 $0xFFFFFFC0, v63  }
0x43: {  	v3 =	vor.u32 v3, v4  }
0x44: {  	v3 =	vperm.xlane v3, v0;
	_ =	sdelay $0x1  }
0x45: {  	v3 =	vadd.s32 v1, v3;
	_ =	sdelay $0x4  }
0x46: {  	[tilespmem:s26], [sflag:$0x1] =	stream.indirect_vreg.gather [hbm4b:s1+s3], $0x80, v3, vm0, $0xb8;
	[tilespmem:$0xA080] =	vst v63  }
0x47: {  	_ = 	snop  }
0x48: {  	[tilespmem:s28], [sflag:$0x1] =	stream.indirect_vreg.gather [hbm4b:s4+s3], $0x80, v3, vm0, $0xb8;
	[tilespmem:$0xA080] =	vst v63  }
0x49: {  	_ = 	snop  }
0x4a: {  	[tilespmem:s29], [sflag:$0x1] =	stream.indirect_vreg.gather [hbm4b:s5+s3], $0x80, v3, vm0, $0xb8;
	[tilespmem:$0xA080] =	vst v63  }
0x4b: {  	_ = 	snop  }
0x4c: {  	[tilespmem:s30], [sflag:$0x1] =	stream.indirect_vreg.gather [hbm4b:s6+s3], $0x80, v3, vm0, $0xb8;
	[tilespmem:$0xA080] =	vst v63  }
0x4d: {  	_ =	swait.ge [sflag:s31], $0xA000  }
0x4e: {  	p0 =	sne.s32 s8, $0x1;
	[sflag:s31] =	ssyncset.done $0x0  }
.Ltmp0:
0x4f: {  	[sflag:s31] =	ssyncadd.s32 $0xFFFF6000;
	(pc) =	sbr.rel @p0 .LBB2_1-.Ltmp0, $4  }
0x50: {  	[hbm4b:s7+s3] =	stream.linear.scatter [tilespmem:s10], [sflag:$0x2], $0xA000, $0x38;
	[tilespmem:$0xA080] =	vst v63  }
0x51: {  	_ =	swait.ge [sflag:s9], $0xA000  }
0x52: {  	[sflag:s9] =	ssyncset.done $0x0  }
0x53: {  	s8 =	sadd.s32 $0xFFFFFFFF, s8;
	[sflag:s9] =	ssyncadd.s32 $0xFFFF6000  }
0x54: {  	_ =	sfence.sel $0x180000  }
0x55: {  	[bflag:$0x0] =	sbarrier.arrive $0xFFFF  }
0x56: {  	_ =	strace $0x9000004A  }
0x57: {  	[bflag:$0x2] =	sbarrier.arrive $0xFFFF  }
0x58: {  	p0 =	sne.s32 s0, $0x0;
	s0 =	rddreg [dreg:$0x3]  }
0x59: {  	s0 =	sadd.s32 @!p0 $0x100000, s0  }
0x5a: {  	[sflag:s0] =	ssyncadd.tile.s32 @!p0 $0x1;
	_ =	shalt  }
.Lfunc_end2:
_tile_overlayer_lowered:
.L_overlay_start_2:
0x5b: {  	(tag) =	ssettag $0x2  }
0x5c: {  	s0 =	rddreg [dreg:$0x0];
	s2 =	stileid.u32  }
0x5d: {  	s1 =	rddreg [dreg:$0x1];
	p0 =	sne.s32 s2, $0x0  }
0x5e: {  	s3 =	rddreg [dreg:$0x2];
	[bflag:$0x3] =	sbarrier.arrive $0xFFFF;
	s2 =	simm.s32 @!p0 $0x1C02  }
0x5f: {  	[timem:s3], [sflag:s2] =	dma.local @!p0 [hbm:s0], s1  }
0x60: {  	s0 =	simm.s32 @!p0 $0x2  }
0x61: {  	_ =	swait.ge @!p0 [sflag:s0], s1  }
0x62: {  	s1 =	ssub.s32 @!p0 $0x0, s1;
	[sflag:s0] =	ssyncset.done @!p0 $0x0  }
0x63: {  	[sflag:s0] =	ssyncadd.s32 @!p0 s1  }
0x64: {  	[bflag:$0x3] =	sbarrier.arrive $0xFFFF  }
0x65: {  	_ =	shalt  }

// kernel: kernel.14.cloned.1.call-start
scs
__scs_entry_jumppad:
0x0: {  	(pc) =	sbr.rel $0x88, $3  }
0x1: {  	(tag) =	ssettag $0x0;
	lr =	simm.s32 $0x1  }
0x2: {  	[smem:$0x3F9A] =	sst lr;
	_ =	strace $0xD0000000  }
0x3: {  	_ = 	snop  }
0x4: {  	_ = 	snop  }
0x5: {  	_ = 	snop  }
0x6: {  	_ = 	snop  }
0x7: {  	_ = 	snop  }
__scs_overlays_trampoline_lowered:
0x8: {  	[smem:$0x3FA9] =	sst s0  }
0x9: {  	[smem:$0x3FAA] =	sst s1  }
0xa: {  	[smem:$0x3FAB] =	sst s2  }
0xb: {  	[smem:$0x3FAC] =	sst s3  }
0xc: {  	[smem:$0x3FAD] =	sst s4  }
0xd: {  	[smem:$0x3FAE] =	sst s5  }
0xe: {  	[smem:$0x3FAF] =	sst s6  }
0xf: {  	[smem:$0x3FB0] =	sst s7  }
0x10: {  	[smem:$0x3FB1] =	sst s8  }
0x11: {  	[smem:$0x3FB2] =	sst s9;
	s0 =	simm.s32 @!p0 $0x0  }
0x12: {  	s1 =	sld [smem:$0x3F98];
	s0 =	simm.s32 @p0 $0x1  }
0x13: {  	[smem:$0x3FB3] =	sst s0;
	s0 =	simm.s32 @!p1 $0x0  }
0x14: {  	s2 =	sld [smem:$0x3F97];
	s0 =	simm.s32 @p1 $0x1  }
0x15: {  	[smem:$0x3FB4] =	sst s0;
	s0 =	simm.s32 @!p2 $0x0  }
0x16: {  	s3 =	sld [smem:$0x3FDB];
	s0 =	simm.s32 @p2 $0x1  }
0x17: {  	s4 =	simm.s32 $0x1BF5;
	[smem:$0x3FB6] =	sst s0  }
0x18: {  	s0 =	sld [smem:$0x3F99];
	_ =	swait.ge [sflag:s4], $0x0  }
0x19: {  	s7 =	sld [smem:$0x3F9A]  }
0x1a: {  	s8 =	sadd.s32 $0xFFFFE003, lr  }
0x1b: {  	s9 =	sadd.s32 $0xFFFFFEF7, lr;
	s5 =	simm.s32 $0xFFFFFFFF;
	p2 =	slt.u32 s8, $0xFFFFF086  }
0x1c: {  	p1 =	slt.u32 s9, $0xF7A;
	s5 =	simm.s32 @!p2 $0x0  }
0x1d: {  	s5 =	simm.s32 @p1 $0x1;
	p0 =	seq.s32 s7, s2  }
0x1e: {  	s7 =	smul.u32 @!p0 $0xF7A, s2;
	p2 =	seq.s32 @!p0 s5, $0x0  }
0x1f: {  	s9 =	smul.u32 $0xF7A, s1;
	s8 =	simm.s32 @!p0 $0x1BF5;
	p2 =	por !p2, p0  }
0x20: {  	[sflag:s8] =	ssyncset.s32 @!p0 $0xFFFFF086;
	s6 =	sadd.s32 @!p0 s3, s7;
	s7 =	simm.s32 @!p0 $0x108  }
0x21: {  	s3 =	sadd.s32 s3, s9;
	s6 =	sadd.s32 @!p0 $0x88, s6;
	s7 =	simm.s32 @p2 $0x1082  }
0x22: {  	[simem:s7], [sflag:s8] =	dma.local @!p0 [hbm:s6], $0xF7A  }
0x23: {  	s9 =	sor.u32 $0xD0000000, s2;
	s6 =	simm.s32 $0x108;
	_ =	swait.ge @!p0 [sflag:s8], $0x0  }
0x24: {  	s3 =	sadd.s32 $0x88, s3;
	s6 =	simm.s32 @!p1 $0x1082;
	[sflag:s4] =	ssyncset.s32 $0xFFFFF086  }
0x25: {  	[simem:s6], [sflag:s4] =	dma.local [hbm:s3], $0xF7A  }
0x26: {  	[smem:$0x3F9A] =	sst s1;
	(tag) =	ssettag s2;
	_ =	strace s9  }
0x27: {  	s1 =	sld [smem:$0x3FAA]  }
0x28: {  	s2 =	sld [smem:$0x3FAB]  }
0x29: {  	s4 =	sld [smem:$0x3FAD]  }
0x2a: {  	p0 =	seq.s32 s5, $0x0;
	s5 =	sld [smem:$0x3FAE]  }
0x2b: {  	s6 =	sld [smem:$0x3FAF]  }
0x2c: {  	s7 =	sld [smem:$0x3FB0]  }
0x2d: {  	s3 =	simm.s32 $0x108;
	s8 =	sld [smem:$0x3FB1]  }
0x2e: {  	s3 =	simm.s32 @!p0 $0x1082;
	s9 =	sld [smem:$0x3FB2]  }
0x2f: {  	lr =	sadd.s32 s0, s3;
	s0 =	sld [smem:$0x3FA9]  }
0x30: {  	s3 =	sld [smem:$0x3FAC]  }
0x31: {  	[smem:$0x3FB5] =	sst s10  }
0x32: {  	s10 =	sld [smem:$0x3FB3];
	_ =	sdelay $0x3  }
0x33: {  	p0 =	seq.s32 s10, $0x1;
	s10 =	sld [smem:$0x3FB5];
	_ =	sdelay $0x3  }
0x34: {  	[smem:$0x3FB5] =	sst s10  }
0x35: {  	s10 =	sld [smem:$0x3FB4];
	_ =	sdelay $0x3  }
0x36: {  	p1 =	seq.s32 s10, $0x1;
	s10 =	sld [smem:$0x3FB5];
	_ =	sdelay $0x3  }
0x37: {  	[smem:$0x3FB5] =	sst s10  }
0x38: {  	s10 =	sld [smem:$0x3FB6]  }
0x39: {  	_ = 	snop;
	(pc) =	sbr.ind lr, $3  }
0x3a: {  	_ = 	snop  }
0x3b: {  	_ = 	snop  }
0x3c: {  	p2 =	seq.s32 s10, $0x1;
	s10 =	sld [smem:$0x3FB5]  }
0x3d: {  	_ =	shalt  }
0x3e: {  	_ =	shalt  }
0x3f: {  	_ =	shalt  }
0x40: {  	_ =	shalt  }
0x41: {  	_ =	shalt  }
0x42: {  	_ =	shalt  }
0x43: {  	_ =	shalt  }
0x44: {  	_ =	shalt  }
0x45: {  	_ =	shalt  }
0x46: {  	_ =	shalt  }
0x47: {  	_ =	shalt  }
0x48: {  	_ =	shalt  }
0x49: {  	_ =	shalt  }
0x4a: {  	_ =	shalt  }
0x4b: {  	_ =	shalt  }
0x4c: {  	_ =	shalt  }
0x4d: {  	_ =	shalt  }
0x4e: {  	_ =	shalt  }
0x4f: {  	_ =	shalt  }
0x50: {  	_ =	shalt  }
0x51: {  	_ =	shalt  }
0x52: {  	_ =	shalt  }
0x53: {  	_ =	shalt  }
0x54: {  	_ =	shalt  }
0x55: {  	_ =	shalt  }
0x56: {  	_ =	shalt  }
0x57: {  	_ =	shalt  }
0x58: {  	_ =	shalt  }
0x59: {  	_ =	shalt  }
0x5a: {  	_ =	shalt  }
0x5b: {  	_ =	shalt  }
0x5c: {  	_ =	shalt  }
0x5d: {  	_ =	shalt  }
0x5e: {  	_ =	shalt  }
0x5f: {  	_ =	shalt  }
0x60: {  	_ =	shalt  }
0x61: {  	_ =	shalt  }
0x62: {  	_ =	shalt  }
0x63: {  	_ =	shalt  }
0x64: {  	_ =	shalt  }
0x65: {  	_ =	shalt  }
0x66: {  	_ =	shalt  }
0x67: {  	_ =	shalt  }
0x68: {  	_ =	shalt  }
0x69: {  	_ =	shalt  }
0x6a: {  	_ =	shalt  }
0x6b: {  	_ =	shalt  }
0x6c: {  	_ =	shalt  }
0x6d: {  	_ =	shalt  }
0x6e: {  	_ =	shalt  }
0x6f: {  	_ =	shalt  }
0x70: {  	_ =	shalt  }
0x71: {  	_ =	shalt  }
0x72: {  	_ =	shalt  }
0x73: {  	_ =	shalt  }
0x74: {  	_ =	shalt  }
0x75: {  	_ =	shalt  }
0x76: {  	_ =	shalt  }
0x77: {  	_ =	shalt  }
0x78: {  	_ =	shalt  }
0x79: {  	_ =	shalt  }
0x7a: {  	_ =	shalt  }
0x7b: {  	_ =	shalt  }
0x7c: {  	_ =	shalt  }
0x7d: {  	_ =	shalt  }
0x7e: {  	_ =	shalt  }
0x7f: {  	_ =	shalt  }
0x80: {  	_ =	shalt  }
0x81: {  	_ =	shalt  }
0x82: {  	_ =	shalt  }
0x83: {  	_ =	shalt  }
0x84: {  	_ =	shalt  }
0x85: {  	_ =	shalt  }
0x86: {  	_ =	shalt  }
0x87: {  	_ =	shalt  }
.Lfunc_end0:
.L_simem_size_0:
called_computation.2_lowered:
.L_overlay_start_0:
0x88: {  	s2 =	sld [smem:$0x3FD9]  }
0x89: {  	s3 =	sld [smem:$0x3FFE];
	_ =	sdelay $0x1  }
0x8a: {  	s1 =	srdreg.scid  }
0x8b: {  	s0 =	sand.u32 $0x1, s1  }
0x8c: {  	s14 =	sshll.u32 s0, $0xA;
	s2 =	sadd.s32 s3, s2  }
0x8d: {  	s2 =	sadd.s32 s2, s14  }
0x8e: {  	[smem:$0x3FC1] =	sst s2  }
0x8f: {  	_ = 	snop  }
0x90: {  	s2 =	sld [smem:$0x3FD0];
	_ =	sdelay $0x2  }
0x91: {  	s15 =	simm.s32 $0xB;
	s4 =	simm.s32 $0x10  }
0x92: {  	[smem:s4], [sflag:s15] =	dma.local [hbm:s2], $0x1  }
0x93: {  	_ =	swait.eq [sflag:s15], $0x1  }
0x94: {  	[sflag:s15] =	ssyncset.done $0x0  }
0x95: {  	[sflag:s15] =	ssyncadd.s32 $0xFFFFFFFF  }
0x96: {  	s16 =	sld [smem:$0x10];
	(tm) =	ssettm $0x1  }
0x97: {  	s17 =	sld [smem:$0x3FFB];
	_ =	sdelay $0x3  }
0x98: {  	_ =	strace s17  }
0x99: {  	s3 =	sld [smem:$0x3FFC];
	_ =	sdelay $0x3  }
0x9a: {  	_ =	strace s3  }
0x9b: {  	s3 =	sld [smem:$0x3FFD];
	_ =	sdelay $0x3  }
0x9c: {  	_ =	strace s3  }
0x9d: {  	_ =	strace $0x8FFFFFFF  }
0x9e: {  	s18 =	sld [smem:$0x3FDB];
	_ =	sdelay $0x1  }
0x9f: {  	s19 =	simm.s32 $_scs_section_size  }
0xa0: {  	s5 =	simm.s32 $_size__tile_overlayer_lowered;
	s6 =	simm.s32 $_tile_overlayer_lowered  }
0xa1: {  	s22 =	simm.s32 $0x1BFF;
	s21 =	sshll.u32 s6, $0x1;
	s3 =	sadd.s32 s19, s18  }
0xa2: {  	s7 =	simm.s32 $0x0;
	s20 =	sshll.u32 s5, $0x1;
	s5 =	sadd.s32 s21, s3  }
0xa3: {  	[timem:s7], [sflag:s22] =	dma.local [hbm:s5], s20  }
0xa4: {  	_ =	swait.ge [sflag:s22], s20  }
0xa5: {  	s4 =	ssub.s32 $0x0, s20;
	[sflag:s22] =	ssyncset.done $0x0  }
0xa6: {  	[sflag:s22] =	ssyncadd.s32 s4;
	_ =	sdelay $0x1  }
0xa7: {  	s23 =	simm.s32 $0x1B8B  }
0xa8: {  	_ =	swait.ge [sflag:s23], $0x1  }
0xa9: {  	[sflag:s23] =	ssyncset.done $0x0  }
0xaa: {  	s25 =	simm.s32 $0x1B8E;
	s24 =	sld [smem:$0x3FFE];
	[sflag:s23] =	ssyncadd.s32 $0xFFFFFFFF  }
0xab: {  	s26 =	simm.s32 $execute0_lowered;
	[smem:$0x3FD2] =	sst s25  }
0xac: {  	s5 =	sshll.u32 s26, $0x1;
	_ =	strace $0x8000004C;
	[dreg:$0x1] =	wrdreg $0xFFFFFFFF  }
0xad: {  	s28 =	simm.s32 $_size_execute0_lowered;
	s3 =	sadd.s32 s3, s5;
	[dreg:$0x0] =	wrdreg $0x0  }
0xae: {  	s5 =	sshll.u32 s28, $0x1;
	[dreg:$0x2] =	wrdreg s3  }
0xaf: {  	[dreg:$0x3] =	wrdreg s5  }
0xb0: {  	[dreg:$0x4] =	wrdreg $0xC0  }
0xb1: {  	_ =	task [dreg:s7], $0x5FFFF  }
0xb2: {  	[dreg:$0x1] =	wrdreg $0xFFFFFFFF  }
0xb3: {  	[dreg:$0x0] =	wrdreg $0x60  }
0xb4: {  	[dreg:$0x2] =	wrdreg s24  }
0xb5: {  	[dreg:$0x3] =	wrdreg s16  }
0xb6: {  	[dreg:$0x4] =	wrdreg $0x9  }
0xb7: {  	_ =	task.clear_ibuf [dreg:s7], $0x5FFFF;
	_ =	strace $0x9000004C  }
0xb8: {  	s29 =	simm.s32 $0x9;
	_ =	strace $0x8000004E  }
0xb9: {  	_ =	swait.ge [sflag:s29], $0x1  }
0xba: {  	[sflag:s29] =	ssyncadd.s32 $0xFFFFFFFF  }
0xbb: {  	_ =	strace $0x9000004E  }
0xbc: {  	_ =	sfence  }
0xbd: {  	s30 =	sld [smem:$0x0];
	_ =	sdelay $0x2  }
0xbe: {  	s31 =	sshll.u32 s1, $0xD;
	s1 =	sshrl.u32 s1, $0x2  }
0xbf: {  	s3 =	sand.u32 $0x4000, s31;
	s1 =	sadd.s32 s1, s30  }
0xc0: {  	s0 =	sor.u32 s3, s0;
	s1 =	sshll.u32 s1, $0x11  }
0xc1: {  	s0 =	sor.u32 s1, s0  }
0xc2: {  	s0 =	sadd.s32 $0x8F2B, s0  }
0xc3: {  	[sflag:s0] =	ssyncadd.remote.s32 $0x1  }
0xc4: {  	_ =	sfence.sel $0xFFFF  }
0xc5: {  	[dreg:$0x0] =	wrdreg $0xFFFFFFFF;
	(pc) =	sbr.abs _section_cstart, $3  }
0xc6: {  	[dreg:$0x1] =	wrdreg $0xFFFFFFFF  }
0xc7: {  	_ =	task.clear_ibuf [dreg:s7], $0x2FFFF;
	_ =	strace $0x9FFFFFFF  }
0xc8: {  	(tm) =	ssettm $0x7FFFFFFF  }
0xc9: {  	_ =	shalt  }
tec
execute0_lowered:
.L_overlay_start_1:
0x0: {  	(tag) =	ssettag $0x1  }
0x1: {  	s1 =	srdreg.scid  }
0x2: {  	s0 =	stileid.u32;
	s6 =	rddreg [dreg:$0x0]  }
0x3: {  	s4 =	rddreg [dreg:$0x1];
	s18 =	simm.s32 $0x880;
	s19 =	simm.s32 $0x1080  }
0x4: {  	s20 =	simm.s32 $0x1880;
	s22 =	simm.s32 $0x2080;
	s23 =	simm.s32 $0x2880  }
0x5: {  	s7 =	simm.s32 $0x3080;
	s24 =	simm.s32 $0x3880;
	s8 =	simm.s32 $0x4080  }
0x6: {  	s25 =	simm.s32 $0x4880;
	s26 =	simm.s32 $0x5080;
	s1 =	sand.u32 $0x1, s1  }
0x7: {  	s9 =	simm.s32 $0x80;
	s2 =	sshll.u32 s0, $0x7;
	s3 =	sshll.u32 s1, $0x6  }
0x8: {  	s11 =	simm.s32 $0x6080;
	s3 =	sor.u32 s3, s2;
	s2 =	simm.s32 $0x0  }
0x9: {  	s12 =	simm.s32 $0x6880;
	s13 =	simm.s32 $0x7080;
	[smem:$0x7FF] =	sst s2  }
0xa: {  	s14 =	simm.s32 $0x7880;
	_ =	strace $0x8000004D;
	[dreg:$0x5] =	wrdreg s18  }
0xb: {  	s15 =	simm.s32 $0x8080;
	s16 =	simm.s32 $0x8880;
	[dreg:$0x6] =	wrdreg s19  }
0xc: {  	s17 =	simm.s32 $0x9080;
	s28 =	simm.s32 $0xE080;
	[dreg:$0x7] =	wrdreg s20  }
0xd: {  	s29 =	simm.s32 $0xE880;
	s30 =	simm.s32 $0xF080;
	[dreg:$0x8] =	wrdreg s22  }
0xe: {  	s31 =	simm.s32 $0xF880;
	s1 =	ssub.s32 $0x2, s1;
	[dreg:$0x9] =	wrdreg s23  }
0xf: {  	s21 =	sshrl.u32 s1, $0x1;
	s5 =	sshrl.u32 s3, $0x3;
	[dreg:$0xa] =	wrdreg s7  }
0x10: {  	s3 =	sshll.u32 s3, $0x7;
	s1 =	ssub.s32 s1, s21;
	[dreg:$0xb] =	wrdreg s24  }
0x11: {  	s21 =	simm.s32 $0xB080;
	s5 =	sadd.s32 s5, s6;
	[dreg:$0xc] =	wrdreg s8  }
0x12: {  	s3 =	sadd.s32 s4, s3;
	s4 =	sadd.s32 $0x29F00, s6;
	[dreg:$0xd] =	wrdreg s25  }
0x13: {  	s7 =	smax.u32 s1, $0x1;
	s8 =	simm.s32 $0x2;
	[dreg:$0xe] =	wrdreg s26  }
0x14: {  	s18 =	simm.s32 $0x9880;
	s19 =	simm.s32 $0xA080;
	s20 =	simm.s32 $0xA880  }
0x15: {  	s22 =	simm.s32 $0xB880;
	s23 =	simm.s32 $0xC080;
	s24 =	simm.s32 $0xC880  }
0x16: {  	v2 =	vlaneseq.u32;
	s25 =	simm.s32 $0xD080;
	s26 =	simm.s32 $0xD880;
	s1 =	simm.s32 $0x1  }
0x17: {  	vm0 =	vmmov $0xffff;
	v1 =	vshrl.u32 v2, $0x3;
	s5 =	sadd.s32 $0x29C00, s5;
	[dreg:$0x4] =	wrdreg s3;
	s3 =	sadd.s32 $0x29E00, s6  }
0x18: {  	v0 =	vand.u32 $0x7, v2;
	v2 =	vor.u32 $0x8, v2;
	v1 =	vmul.u32 $0x8, v1;
	[dreg:$0x3] =	wrdreg s5;
	s5 =	sadd.s32 $0x2A000, s6;
	s6 =	sadd.s32 $0x2A100, s6  }
.LBB2_1:
0x19: {  	s0 =	rddreg [dreg:$0x3]  }
0x1a: {  	[tilespmem:s2], [sflag:$0x2] =	stream.linear.gather [hbm4b:s0+s2], $0x40, $0x38;
	[tilespmem:$0x10080] =	vst v63  }
0x1b: {  	_ =	swait.ge [sflag:s8], $0x40  }
0x1c: {  	[sflag:s8] =	ssyncset.done $0x0  }
0x1d: {  	[sflag:s8] =	ssyncadd.s32 $0xFFFFFFC0  }
0x1e: {  	v3 =	vld [tilespmem:$0x0];
	_ =	sdelay $0x4  }
0x1f: {  	v4 =	vshll.u32 v3, $0x3  }
0x20: {  	v3 =	vand.u32 $0x7, v3;
	v4 =	vand.u32 $0xFFFFFFC0, v4  }
0x21: {  	v3 =	vor.u32 v3, v4  }
0x22: {  	v4 =	vperm.xlane v3, v0;
	_ =	sdelay $0x1  }
0x23: {  	v4 =	vadd.s32 v1, v4;
	_ =	sdelay $0x4  }
0x24: {  	[tilespmem:s9], [sflag:$0x1] =	stream.indirect_vreg.gather [hbm4b:s3+s2], $0x80, v4, vm0, $0xb8;
	[tilespmem:$0x10080] =	vst v63  }
0x25: {  	s0 =	rddreg [dreg:$0x5];
	v3 =	vperm.xlane v3, v2  }
0x26: {  	[tilespmem:s0], [sflag:$0x1] =	stream.indirect_vreg.gather [hbm4b:s4+s2], $0x80, v4, vm0, $0xb8;
	[tilespmem:$0x10080] =	vst v63  }
0x27: {  	s10 =	rddreg [dreg:$0x6];
	v3 =	vadd.s32 v1, v3  }
0x28: {  	[tilespmem:s10], [sflag:$0x1] =	stream.indirect_vreg.gather [hbm4b:s5+s2], $0x80, v4, vm0, $0xb8;
	[tilespmem:$0x10080] =	vst v63  }
0x29: {  	s0 =	rddreg [dreg:$0x7]  }
0x2a: {  	[tilespmem:s0], [sflag:$0x1] =	stream.indirect_vreg.gather [hbm4b:s6+s2], $0x80, v4, vm0, $0xb8;
	[tilespmem:$0x10080] =	vst v63  }
0x2b: {  	s10 =	rddreg [dreg:$0x8]  }
0x2c: {  	[tilespmem:s10], [sflag:$0x1] =	stream.indirect_vreg.gather [hbm4b:s3+s2], $0x80, v3, vm0, $0xb8;
	[tilespmem:$0x10080] =	vst v63  }
0x2d: {  	s0 =	rddreg [dreg:$0x9]  }
0x2e: {  	[tilespmem:s0], [sflag:$0x1] =	stream.indirect_vreg.gather [hbm4b:s4+s2], $0x80, v3, vm0, $0xb8;
	[tilespmem:$0x10080] =	vst v63  }
0x2f: {  	s10 =	rddreg [dreg:$0xa]  }
0x30: {  	[tilespmem:s10], [sflag:$0x1] =	stream.indirect_vreg.gather [hbm4b:s5+s2], $0x80, v3, vm0, $0xb8;
	[tilespmem:$0x10080] =	vst v63  }
0x31: {  	s0 =	rddreg [dreg:$0xb]  }
0x32: {  	[tilespmem:s0], [sflag:$0x1] =	stream.indirect_vreg.gather [hbm4b:s6+s2], $0x80, v3, vm0, $0xb8;
	[tilespmem:$0x10080] =	vst v63  }
0x33: {  	v3 =	vld [tilespmem:$0x10];
	_ =	sdelay $0x4  }
0x34: {  	v61 =	vshll.u32 v3, $0x3  }
0x35: {  	v3 =	vand.u32 $0x7, v3;
	v4 =	vand.u32 $0xFFFFFFC0, v61  }
0x36: {  	v3 =	vor.u32 v3, v4  }
0x37: {  	v4 =	vperm.xlane v3, v0;
	_ =	sdelay $0x1  }
0x38: {  	v4 =	vadd.s32 v1, v4;
	_ =	sdelay $0x3  }
0x39: {  	s0 =	rddreg [dreg:$0xc]  }
0x3a: {  	[tilespmem:s0], [sflag:$0x1] =	stream.indirect_vreg.gather [hbm4b:s3+s2], $0x80, v4, vm0, $0xb8;
	[tilespmem:$0x10080] =	vst v63  }
0x3b: {  	s10 =	rddreg [dreg:$0xd];
	v3 =	vperm.xlane v3, v2  }
0x3c: {  	[tilespmem:s10], [sflag:$0x1] =	stream.indirect_vreg.gather [hbm4b:s4+s2], $0x80, v4, vm0, $0xb8;
	[tilespmem:$0x10080] =	vst v63  }
0x3d: {  	v3 =	vadd.s32 v1, v3;
	s0 =	rddreg [dreg:$0xe]  }
0x3e: {  	[tilespmem:s0], [sflag:$0x1] =	stream.indirect_vreg.gather [hbm4b:s5+s2], $0x80, v4, vm0, $0xb8;
	[tilespmem:$0x10080] =	vst v63  }
0x3f: {  	s10 =	simm.s32 $0x5880  }
0x40: {  	[tilespmem:s10], [sflag:$0x1] =	stream.indirect_vreg.gather [hbm4b:s6+s2], $0x80, v4, vm0, $0xb8;
	[tilespmem:$0x10080] =	vst v63  }
0x41: {  	_ = 	snop  }
0x42: {  	[tilespmem:s11], [sflag:$0x1] =	stream.indirect_vreg.gather [hbm4b:s3+s2], $0x80, v3, vm0, $0xb8;
	[tilespmem:$0x10080] =	vst v63  }
0x43: {  	_ = 	snop  }
0x44: {  	[tilespmem:s12], [sflag:$0x1] =	stream.indirect_vreg.gather [hbm4b:s4+s2], $0x80, v3, vm0, $0xb8;
	[tilespmem:$0x10080] =	vst v63  }
0x45: {  	_ = 	snop  }
0x46: {  	[tilespmem:s13], [sflag:$0x1] =	stream.indirect_vreg.gather [hbm4b:s5+s2], $0x80, v3, vm0, $0xb8;
	[tilespmem:$0x10080] =	vst v63  }
0x47: {  	_ = 	snop  }
0x48: {  	[tilespmem:s14], [sflag:$0x1] =	stream.indirect_vreg.gather [hbm4b:s6+s2], $0x80, v3, vm0, $0xb8;
	[tilespmem:$0x10080] =	vst v63  }
0x49: {  	v3 =	vld [tilespmem:$0x20];
	_ =	sdelay $0x4  }
0x4a: {  	v62 =	vshll.u32 v3, $0x3  }
0x4b: {  	v3 =	vand.u32 $0x7, v3;
	v4 =	vand.u32 $0xFFFFFFC0, v62  }
0x4c: {  	v3 =	vor.u32 v3, v4  }
0x4d: {  	v4 =	vperm.xlane v3, v0;
	_ =	sdelay $0x1  }
0x4e: {  	v4 =	vadd.s32 v1, v4;
	_ =	sdelay $0x4  }
0x4f: {  	[tilespmem:s15], [sflag:$0x1] =	stream.indirect_vreg.gather [hbm4b:s3+s2], $0x80, v4, vm0, $0xb8;
	[tilespmem:$0x10080] =	vst v63  }
0x50: {  	v3 =	vperm.xlane v3, v2  }
0x51: {  	[tilespmem:s16], [sflag:$0x1] =	stream.indirect_vreg.gather [hbm4b:s4+s2], $0x80, v4, vm0, $0xb8;
	[tilespmem:$0x10080] =	vst v63  }
0x52: {  	v3 =	vadd.s32 v1, v3  }
0x53: {  	[tilespmem:s17], [sflag:$0x1] =	stream.indirect_vreg.gather [hbm4b:s5+s2], $0x80, v4, vm0, $0xb8;
	[tilespmem:$0x10080] =	vst v63  }
0x54: {  	_ = 	snop  }
0x55: {  	[tilespmem:s18], [sflag:$0x1] =	stream.indirect_vreg.gather [hbm4b:s6+s2], $0x80, v4, vm0, $0xb8;
	[tilespmem:$0x10080] =	vst v63  }
0x56: {  	_ = 	snop  }
0x57: {  	[tilespmem:s19], [sflag:$0x1] =	stream.indirect_vreg.gather [hbm4b:s3+s2], $0x80, v3, vm0, $0xb8;
	[tilespmem:$0x10080] =	vst v63  }
0x58: {  	_ = 	snop  }
0x59: {  	[tilespmem:s20], [sflag:$0x1] =	stream.indirect_vreg.gather [hbm4b:s4+s2], $0x80, v3, vm0, $0xb8;
	[tilespmem:$0x10080] =	vst v63  }
0x5a: {  	_ = 	snop  }
0x5b: {  	[tilespmem:s21], [sflag:$0x1] =	stream.indirect_vreg.gather [hbm4b:s5+s2], $0x80, v3, vm0, $0xb8;
	[tilespmem:$0x10080] =	vst v63  }
0x5c: {  	_ = 	snop  }
0x5d: {  	[tilespmem:s22], [sflag:$0x1] =	stream.indirect_vreg.gather [hbm4b:s6+s2], $0x80, v3, vm0, $0xb8;
	[tilespmem:$0x10080] =	vst v63  }
0x5e: {  	v3 =	vld [tilespmem:$0x30];
	_ =	sdelay $0x4  }
0x5f: {  	v63 =	vshll.u32 v3, $0x3  }
0x60: {  	v3 =	vand.u32 $0x7, v3;
	v4 =	vand.u32 $0xFFFFFFC0, v63  }
0x61: {  	v3 =	vor.u32 v3, v4  }
0x62: {  	v4 =	vperm.xlane v3, v0;
	_ =	sdelay $0x1  }
0x63: {  	v4 =	vadd.s32 v1, v4;
	_ =	sdelay $0x4  }
0x64: {  	[tilespmem:s23], [sflag:$0x1] =	stream.indirect_vreg.gather [hbm4b:s3+s2], $0x80, v4, vm0, $0xb8;
	[tilespmem:$0x10080] =	vst v63  }
0x65: {  	v3 =	vperm.xlane v3, v2  }
0x66: {  	[tilespmem:s24], [sflag:$0x1] =	stream.indirect_vreg.gather [hbm4b:s4+s2], $0x80, v4, vm0, $0xb8;
	[tilespmem:$0x10080] =	vst v63  }
0x67: {  	v3 =	vadd.s32 v1, v3  }
0x68: {  	[tilespmem:s25], [sflag:$0x1] =	stream.indirect_vreg.gather [hbm4b:s5+s2], $0x80, v4, vm0, $0xb8;
	[tilespmem:$0x10080] =	vst v63  }
0x69: {  	_ = 	snop  }
0x6a: {  	[tilespmem:s26], [sflag:$0x1] =	stream.indirect_vreg.gather [hbm4b:s6+s2], $0x80, v4, vm0, $0xb8;
	[tilespmem:$0x10080] =	vst v63  }
0x6b: {  	_ = 	snop  }
0x6c: {  	[tilespmem:s28], [sflag:$0x1] =	stream.indirect_vreg.gather [hbm4b:s3+s2], $0x80, v3, vm0, $0xb8;
	[tilespmem:$0x10080] =	vst v63  }
0x6d: {  	_ = 	snop  }
0x6e: {  	[tilespmem:s29], [sflag:$0x1] =	stream.indirect_vreg.gather [hbm4b:s4+s2], $0x80, v3, vm0, $0xb8;
	[tilespmem:$0x10080] =	vst v63  }
0x6f: {  	_ = 	snop  }
0x70: {  	[tilespmem:s30], [sflag:$0x1] =	stream.indirect_vreg.gather [hbm4b:s5+s2], $0x80, v3, vm0, $0xb8;
	[tilespmem:$0x10080] =	vst v63  }
0x71: {  	_ = 	snop  }
0x72: {  	[tilespmem:s31], [sflag:$0x1] =	stream.indirect_vreg.gather [hbm4b:s6+s2], $0x80, v3, vm0, $0xb8;
	[tilespmem:$0x10080] =	vst v63  }
0x73: {  	_ =	swait.ge [sflag:s1], $0x10000  }
0x74: {  	p0 =	sne.s32 s7, $0x1;
	[sflag:s1] =	ssyncset.done $0x0  }
.Ltmp0:
0x75: {  	s10 =	rddreg [dreg:$0x4];
	[sflag:s1] =	ssyncadd.s32 $0xFFFF0000;
	(pc) =	sbr.rel @p0 .LBB2_1-.Ltmp0, $4  }
0x76: {  	[hbm4b:s10+s2] =	stream.linear.scatter [tilespmem:s9], [sflag:$0x2], $0x10000, $0x38;
	[tilespmem:$0x10080] =	vst v63  }
0x77: {  	_ =	swait.ge [sflag:s8], $0x10000  }
0x78: {  	[sflag:s8] =	ssyncset.done $0x0  }
0x79: {  	s7 =	sadd.s32 $0xFFFFFFFF, s7;
	[sflag:s8] =	ssyncadd.s32 $0xFFFF0000  }
0x7a: {  	_ =	sfence.sel $0x180000  }
0x7b: {  	[bflag:$0x0] =	sbarrier.arrive $0xFFFF  }
0x7c: {  	_ =	strace $0x9000004D  }
0x7d: {  	s0 =	stileid.u32;
	[bflag:$0x2] =	sbarrier.arrive $0xFFFF  }
0x7e: {  	p0 =	sne.s32 s0, $0x0;
	s0 =	rddreg [dreg:$0x2]  }
0x7f: {  	s0 =	sadd.s32 @!p0 $0x100000, s0  }
0x80: {  	[sflag:s0] =	ssyncadd.tile.s32 @!p0 $0x1;
	_ =	shalt  }
.Lfunc_end2:
_tile_overlayer_lowered:
.L_overlay_start_2:
0x81: {  	(tag) =	ssettag $0x2  }
0x82: {  	s0 =	rddreg [dreg:$0x0];
	s2 =	stileid.u32  }
0x83: {  	s1 =	rddreg [dreg:$0x1];
	p0 =	sne.s32 s2, $0x0  }
0x84: {  	s3 =	rddreg [dreg:$0x2];
	[bflag:$0x3] =	sbarrier.arrive $0xFFFF;
	s2 =	simm.s32 @!p0 $0x1C02  }
0x85: {  	[timem:s3], [sflag:s2] =	dma.local @!p0 [hbm:s0], s1  }
0x86: {  	s0 =	simm.s32 @!p0 $0x2  }
0x87: {  	_ =	swait.ge @!p0 [sflag:s0], s1  }
0x88: {  	s1 =	ssub.s32 @!p0 $0x0, s1;
	[sflag:s0] =	ssyncset.done @!p0 $0x0  }
0x89: {  	[sflag:s0] =	ssyncadd.s32 @!p0 s1  }
0x8a: {  	[bflag:$0x3] =	sbarrier.arrive $0xFFFF  }
0x8b: {  	_ =	shalt  }

// kernel: kernel.8.cloned.1.call-start
scs
__scs_entry_jumppad:
0x0: {  	(pc) =	sbr.rel $0x88, $3  }
0x1: {  	(tag) =	ssettag $0x0;
	lr =	simm.s32 $0x1  }
0x2: {  	[smem:$0x3F9A] =	sst lr;
	_ =	strace $0xD0000000  }
0x3: {  	_ = 	snop  }
0x4: {  	_ = 	snop  }
0x5: {  	_ = 	snop  }
0x6: {  	_ = 	snop  }
0x7: {  	_ = 	snop  }
__scs_overlays_trampoline_lowered:
0x8: {  	[smem:$0x3FA9] =	sst s0  }
0x9: {  	[smem:$0x3FAA] =	sst s1  }
0xa: {  	[smem:$0x3FAB] =	sst s2  }
0xb: {  	[smem:$0x3FAC] =	sst s3  }
0xc: {  	[smem:$0x3FAD] =	sst s4  }
0xd: {  	[smem:$0x3FAE] =	sst s5  }
0xe: {  	[smem:$0x3FAF] =	sst s6  }
0xf: {  	[smem:$0x3FB0] =	sst s7  }
0x10: {  	[smem:$0x3FB1] =	sst s8  }
0x11: {  	[smem:$0x3FB2] =	sst s9;
	s0 =	simm.s32 @!p0 $0x0  }
0x12: {  	s1 =	sld [smem:$0x3F98];
	s0 =	simm.s32 @p0 $0x1  }
0x13: {  	[smem:$0x3FB3] =	sst s0;
	s0 =	simm.s32 @!p1 $0x0  }
0x14: {  	s2 =	sld [smem:$0x3F97];
	s0 =	simm.s32 @p1 $0x1  }
0x15: {  	[smem:$0x3FB4] =	sst s0;
	s0 =	simm.s32 @!p2 $0x0  }
0x16: {  	s3 =	sld [smem:$0x3FDB];
	s0 =	simm.s32 @p2 $0x1  }
0x17: {  	s4 =	simm.s32 $0x1BF5;
	[smem:$0x3FB6] =	sst s0  }
0x18: {  	s0 =	sld [smem:$0x3F99];
	_ =	swait.ge [sflag:s4], $0x0  }
0x19: {  	s7 =	sld [smem:$0x3F9A]  }
0x1a: {  	s8 =	sadd.s32 $0xFFFFE003, lr  }
0x1b: {  	s9 =	sadd.s32 $0xFFFFFEF7, lr;
	s5 =	simm.s32 $0xFFFFFFFF;
	p2 =	slt.u32 s8, $0xFFFFF086  }
0x1c: {  	p1 =	slt.u32 s9, $0xF7A;
	s5 =	simm.s32 @!p2 $0x0  }
0x1d: {  	s5 =	simm.s32 @p1 $0x1;
	p0 =	seq.s32 s7, s2  }
0x1e: {  	s7 =	smul.u32 @!p0 $0xF7A, s2;
	p2 =	seq.s32 @!p0 s5, $0x0  }
0x1f: {  	s9 =	smul.u32 $0xF7A, s1;
	s8 =	simm.s32 @!p0 $0x1BF5;
	p2 =	por !p2, p0  }
0x20: {  	[sflag:s8] =	ssyncset.s32 @!p0 $0xFFFFF086;
	s6 =	sadd.s32 @!p0 s3, s7;
	s7 =	simm.s32 @!p0 $0x108  }
0x21: {  	s3 =	sadd.s32 s3, s9;
	s6 =	sadd.s32 @!p0 $0x88, s6;
	s7 =	simm.s32 @p2 $0x1082  }
0x22: {  	[simem:s7], [sflag:s8] =	dma.local @!p0 [hbm:s6], $0xF7A  }
0x23: {  	s9 =	sor.u32 $0xD0000000, s2;
	s6 =	simm.s32 $0x108;
	_ =	swait.ge @!p0 [sflag:s8], $0x0  }
0x24: {  	s3 =	sadd.s32 $0x88, s3;
	s6 =	simm.s32 @!p1 $0x1082;
	[sflag:s4] =	ssyncset.s32 $0xFFFFF086  }
0x25: {  	[simem:s6], [sflag:s4] =	dma.local [hbm:s3], $0xF7A  }
0x26: {  	[smem:$0x3F9A] =	sst s1;
	(tag) =	ssettag s2;
	_ =	strace s9  }
0x27: {  	s1 =	sld [smem:$0x3FAA]  }
0x28: {  	s2 =	sld [smem:$0x3FAB]  }
0x29: {  	s4 =	sld [smem:$0x3FAD]  }
0x2a: {  	p0 =	seq.s32 s5, $0x0;
	s5 =	sld [smem:$0x3FAE]  }
0x2b: {  	s6 =	sld [smem:$0x3FAF]  }
0x2c: {  	s7 =	sld [smem:$0x3FB0]  }
0x2d: {  	s3 =	simm.s32 $0x108;
	s8 =	sld [smem:$0x3FB1]  }
0x2e: {  	s3 =	simm.s32 @!p0 $0x1082;
	s9 =	sld [smem:$0x3FB2]  }
0x2f: {  	lr =	sadd.s32 s0, s3;
	s0 =	sld [smem:$0x3FA9]  }
0x30: {  	s3 =	sld [smem:$0x3FAC]  }
0x31: {  	[smem:$0x3FB5] =	sst s10  }
0x32: {  	s10 =	sld [smem:$0x3FB3];
	_ =	sdelay $0x3  }
0x33: {  	p0 =	seq.s32 s10, $0x1;
	s10 =	sld [smem:$0x3FB5];
	_ =	sdelay $0x3  }
0x34: {  	[smem:$0x3FB5] =	sst s10  }
0x35: {  	s10 =	sld [smem:$0x3FB4];
	_ =	sdelay $0x3  }
0x36: {  	p1 =	seq.s32 s10, $0x1;
	s10 =	sld [smem:$0x3FB5];
	_ =	sdelay $0x3  }
0x37: {  	[smem:$0x3FB5] =	sst s10  }
0x38: {  	s10 =	sld [smem:$0x3FB6]  }
0x39: {  	_ = 	snop;
	(pc) =	sbr.ind lr, $3  }
0x3a: {  	_ = 	snop  }
0x3b: {  	_ = 	snop  }
0x3c: {  	p2 =	seq.s32 s10, $0x1;
	s10 =	sld [smem:$0x3FB5]  }
0x3d: {  	_ =	shalt  }
0x3e: {  	_ =	shalt  }
0x3f: {  	_ =	shalt  }
0x40: {  	_ =	shalt  }
0x41: {  	_ =	shalt  }
0x42: {  	_ =	shalt  }
0x43: {  	_ =	shalt  }
0x44: {  	_ =	shalt  }
0x45: {  	_ =	shalt  }
0x46: {  	_ =	shalt  }
0x47: {  	_ =	shalt  }
0x48: {  	_ =	shalt  }
0x49: {  	_ =	shalt  }
0x4a: {  	_ =	shalt  }
0x4b: {  	_ =	shalt  }
0x4c: {  	_ =	shalt  }
0x4d: {  	_ =	shalt  }
0x4e: {  	_ =	shalt  }
0x4f: {  	_ =	shalt  }
0x50: {  	_ =	shalt  }
0x51: {  	_ =	shalt  }
0x52: {  	_ =	shalt  }
0x53: {  	_ =	shalt  }
0x54: {  	_ =	shalt  }
0x55: {  	_ =	shalt  }
0x56: {  	_ =	shalt  }
0x57: {  	_ =	shalt  }
0x58: {  	_ =	shalt  }
0x59: {  	_ =	shalt  }
0x5a: {  	_ =	shalt  }
0x5b: {  	_ =	shalt  }
0x5c: {  	_ =	shalt  }
0x5d: {  	_ =	shalt  }
0x5e: {  	_ =	shalt  }
0x5f: {  	_ =	shalt  }
0x60: {  	_ =	shalt  }
0x61: {  	_ =	shalt  }
0x62: {  	_ =	shalt  }
0x63: {  	_ =	shalt  }
0x64: {  	_ =	shalt  }
0x65: {  	_ =	shalt  }
0x66: {  	_ =	shalt  }
0x67: {  	_ =	shalt  }
0x68: {  	_ =	shalt  }
0x69: {  	_ =	shalt  }
0x6a: {  	_ =	shalt  }
0x6b: {  	_ =	shalt  }
0x6c: {  	_ =	shalt  }
0x6d: {  	_ =	shalt  }
0x6e: {  	_ =	shalt  }
0x6f: {  	_ =	shalt  }
0x70: {  	_ =	shalt  }
0x71: {  	_ =	shalt  }
0x72: {  	_ =	shalt  }
0x73: {  	_ =	shalt  }
0x74: {  	_ =	shalt  }
0x75: {  	_ =	shalt  }
0x76: {  	_ =	shalt  }
0x77: {  	_ =	shalt  }
0x78: {  	_ =	shalt  }
0x79: {  	_ =	shalt  }
0x7a: {  	_ =	shalt  }
0x7b: {  	_ =	shalt  }
0x7c: {  	_ =	shalt  }
0x7d: {  	_ =	shalt  }
0x7e: {  	_ =	shalt  }
0x7f: {  	_ =	shalt  }
0x80: {  	_ =	shalt  }
0x81: {  	_ =	shalt  }
0x82: {  	_ =	shalt  }
0x83: {  	_ =	shalt  }
0x84: {  	_ =	shalt  }
0x85: {  	_ =	shalt  }
0x86: {  	_ =	shalt  }
0x87: {  	_ =	shalt  }
.Lfunc_end0:
.L_simem_size_0:
called_computation_lowered:
.L_overlay_start_0:
0x88: {  	s2 =	sld [smem:$0x3FD9]  }
0x89: {  	s3 =	sld [smem:$0x3FFE];
	_ =	sdelay $0x1  }
0x8a: {  	s1 =	srdreg.scid  }
0x8b: {  	s0 =	sand.u32 $0x1, s1  }
0x8c: {  	s17 =	sshll.u32 s0, $0xA;
	s2 =	sadd.s32 s3, s2  }
0x8d: {  	s2 =	sadd.s32 s2, s17  }
0x8e: {  	[smem:$0x3FC1] =	sst s2  }
0x8f: {  	_ = 	snop  }
0x90: {  	s2 =	sld [smem:$0x3FC9];
	(tm) =	ssettm $0x1  }
0x91: {  	s18 =	sld [smem:$0x3FFB];
	_ =	sdelay $0x3  }
0x92: {  	_ =	strace s18  }
0x93: {  	s3 =	sld [smem:$0x3FFC];
	_ =	sdelay $0x3  }
0x94: {  	_ =	strace s3  }
0x95: {  	s3 =	sld [smem:$0x3FFD];
	_ =	sdelay $0x3  }
0x96: {  	_ =	strace s3  }
0x97: {  	_ =	strace $0x8FFFFFFF  }
0x98: {  	s19 =	sld [smem:$0x3FDB];
	_ =	sdelay $0x1  }
0x99: {  	s4 =	simm.s32 $_scs_section_size  }
0x9a: {  	s5 =	simm.s32 $_size__tile_overlayer_lowered;
	s6 =	simm.s32 $_tile_overlayer_lowered  }
0x9b: {  	s22 =	simm.s32 $0x1BFF;
	s21 =	sshll.u32 s6, $0x1;
	s3 =	sadd.s32 s4, s19  }
0x9c: {  	s7 =	simm.s32 $0x0;
	s20 =	sshll.u32 s5, $0x1;
	s5 =	sadd.s32 s21, s3  }
0x9d: {  	[timem:s7], [sflag:s22] =	dma.local [hbm:s5], s20  }
0x9e: {  	_ =	swait.ge [sflag:s22], s20  }
0x9f: {  	s4 =	ssub.s32 $0x0, s20;
	[sflag:s22] =	ssyncset.done $0x0  }
0xa0: {  	[sflag:s22] =	ssyncadd.s32 s4;
	_ =	sdelay $0x1  }
0xa1: {  	s23 =	simm.s32 $0x1B8B  }
0xa2: {  	_ =	swait.ge [sflag:s23], $0x1  }
0xa3: {  	[sflag:s23] =	ssyncset.done $0x0  }
0xa4: {  	s25 =	simm.s32 $0x1B8E;
	s24 =	sld [smem:$0x3FFE];
	[sflag:s23] =	ssyncadd.s32 $0xFFFFFFFF  }
0xa5: {  	s26 =	simm.s32 $execute0_lowered;
	[smem:$0x3FD2] =	sst s25  }
0xa6: {  	s5 =	sshll.u32 s26, $0x1;
	_ =	strace $0x80000046;
	[dreg:$0x1] =	wrdreg $0xFFFFFFFF  }
0xa7: {  	s28 =	simm.s32 $_size_execute0_lowered;
	s3 =	sadd.s32 s3, s5;
	[dreg:$0x0] =	wrdreg $0x0  }
0xa8: {  	s5 =	sshll.u32 s28, $0x1;
	[dreg:$0x2] =	wrdreg s3  }
0xa9: {  	[dreg:$0x3] =	wrdreg s5  }
0xaa: {  	[dreg:$0x4] =	wrdreg $0xC0  }
0xab: {  	_ =	task [dreg:s7], $0x5FFFF  }
0xac: {  	[dreg:$0x1] =	wrdreg $0xFFFFFFFF  }
0xad: {  	[dreg:$0x0] =	wrdreg $0x60  }
0xae: {  	[dreg:$0x2] =	wrdreg s2  }
0xaf: {  	[dreg:$0x3] =	wrdreg s24  }
0xb0: {  	[dreg:$0x4] =	wrdreg $0x9  }
0xb1: {  	_ =	task.clear_ibuf [dreg:s7], $0x5FFFF;
	_ =	strace $0x90000046  }
0xb2: {  	s29 =	simm.s32 $0x9;
	_ =	strace $0x80000048  }
0xb3: {  	_ =	swait.ge [sflag:s29], $0x1  }
0xb4: {  	[sflag:s29] =	ssyncadd.s32 $0xFFFFFFFF  }
0xb5: {  	_ =	strace $0x90000048  }
0xb6: {  	_ =	sfence  }
0xb7: {  	s30 =	sld [smem:$0x0];
	_ =	sdelay $0x2  }
0xb8: {  	s31 =	sshll.u32 s1, $0xD;
	s1 =	sshrl.u32 s1, $0x2  }
0xb9: {  	s3 =	sand.u32 $0x4000, s31;
	s1 =	sadd.s32 s1, s30  }
0xba: {  	s0 =	sor.u32 s3, s0;
	s1 =	sshll.u32 s1, $0x11  }
0xbb: {  	s0 =	sor.u32 s1, s0  }
0xbc: {  	s0 =	sadd.s32 $0x8F2B, s0  }
0xbd: {  	[sflag:s0] =	ssyncadd.remote.s32 $0x1  }
0xbe: {  	_ =	sfence.sel $0xFFFF  }
0xbf: {  	[dreg:$0x0] =	wrdreg $0xFFFFFFFF;
	(pc) =	sbr.abs _section_cstart, $3  }
0xc0: {  	[dreg:$0x1] =	wrdreg $0xFFFFFFFF  }
0xc1: {  	_ =	task.clear_ibuf [dreg:s7], $0x2FFFF;
	_ =	strace $0x9FFFFFFF  }
0xc2: {  	(tm) =	ssettm $0x7FFFFFFF  }
0xc3: {  	_ =	shalt  }
tec
execute0_lowered:
.L_overlay_start_1:
0x0: {  	(tag) =	ssettag $0x1  }
0x1: {  	s1 =	srdreg.scid;
	s2 =	rddreg [dreg:$0x0]  }
0x2: {  	s0 =	stileid.u32;
	s5 =	rddreg [dreg:$0x1]  }
0x3: {  	s3 =	simm.s32 $0x0;
	s10 =	simm.s32 $0x80;
	s11 =	simm.s32 $0x880  }
0x4: {  	s12 =	simm.s32 $0x1080;
	s13 =	simm.s32 $0x1880;
	s14 =	simm.s32 $0x2080  }
0x5: {  	s15 =	simm.s32 $0x2880;
	s16 =	simm.s32 $0x3080;
	s17 =	simm.s32 $0x3880  }
0x6: {  	s18 =	simm.s32 $0x4080;
	s19 =	simm.s32 $0x4880;
	s20 =	simm.s32 $0x5080  }
0x7: {  	s21 =	simm.s32 $0x5880;
	s22 =	simm.s32 $0x6080;
	s23 =	simm.s32 $0x6880  }
0x8: {  	s24 =	simm.s32 $0x7080;
	s25 =	simm.s32 $0x7880;
	s28 =	simm.s32 $0x8880  }
0x9: {  	s29 =	simm.s32 $0x9080;
	s4 =	sand.u32 $0x1, s1;
	s26 =	sshll.u32 s0, $0x1  }
0xa: {  	s30 =	simm.s32 $0x9880;
	s31 =	simm.s32 $0x1;
	s6 =	sor.u32 s4, s26  }
0xb: {  	[smem:$0x7FF] =	sst s3;
	s4 =	ssub.s32 $0x2, s4;
	s7 =	smul.u32 $0x5, s6  }
0xc: {  	_ =	strace $0x80000047;
	s6 =	smul.u32 $0x1400, s6;
	s8 =	sshrl.u32 s4, $0x1  }
0xd: {  	s26 =	simm.s32 $0x8080;
	s8 =	ssub.s32 s4, s8;
	s4 =	sadd.s32 $0x100, s2  }
0xe: {  	v2 =	vlaneseq.u32;
	s7 =	sadd.s32 s7, s5;
	s9 =	sadd.s32 s6, s5;
	s5 =	sadd.s32 $0x200, s2  }
0xf: {  	vm0 =	vmmov $0xffff;
	v1 =	vshrl.u32 v2, $0x3;
	s6 =	sadd.s32 $0x300, s2;
	s8 =	smax.u32 s8, $0x1;
	s7 =	sadd.s32 $0x1800, s7  }
0x10: {  	v0 =	vand.u32 $0x7, v2;
	v2 =	vor.u32 $0x8, v2;
	v1 =	vmul.u32 $0x8, v1;
	[dreg:$0x3] =	wrdreg s7;
	s7 =	sadd.s32 $0x1A00, s9;
	s9 =	simm.s32 $0x2  }
.LBB2_1:
0x11: {  	s1 =	rddreg [dreg:$0x3]  }
0x12: {  	[tilespmem:s3], [sflag:$0x2] =	stream.linear.gather [hbm4b:s1+s3], $0x28, $0x38;
	[tilespmem:$0xA080] =	vst v63  }
0x13: {  	_ =	swait.ge [sflag:s9], $0x28  }
0x14: {  	[sflag:s9] =	ssyncset.done $0x0  }
0x15: {  	[sflag:s9] =	ssyncadd.s32 $0xFFFFFFD8  }
0x16: {  	v3 =	vld [tilespmem:$0x0];
	_ =	sdelay $0x4  }
0x17: {  	v4 =	vshll.u32 v3, $0x3  }
0x18: {  	v3 =	vand.u32 $0x7, v3;
	v4 =	vand.u32 $0xFFFFFFC0, v4  }
0x19: {  	v3 =	vor.u32 v3, v4  }
0x1a: {  	v4 =	vperm.xlane v3, v0;
	_ =	sdelay $0x1  }
0x1b: {  	v4 =	vadd.s32 v1, v4;
	_ =	sdelay $0x4  }
0x1c: {  	[tilespmem:s10], [sflag:$0x1] =	stream.indirect_vreg.gather [hbm4b:s2+s3], $0x80, v4, vm0, $0xb8;
	[tilespmem:$0xA080] =	vst v63  }
0x1d: {  	v3 =	vperm.xlane v3, v2  }
0x1e: {  	[tilespmem:s11], [sflag:$0x1] =	stream.indirect_vreg.gather [hbm4b:s4+s3], $0x80, v4, vm0, $0xb8;
	[tilespmem:$0xA080] =	vst v63  }
0x1f: {  	v3 =	vadd.s32 v1, v3  }
0x20: {  	[tilespmem:s12], [sflag:$0x1] =	stream.indirect_vreg.gather [hbm4b:s5+s3], $0x80, v4, vm0, $0xb8;
	[tilespmem:$0xA080] =	vst v63  }
0x21: {  	_ = 	snop  }
0x22: {  	[tilespmem:s13], [sflag:$0x1] =	stream.indirect_vreg.gather [hbm4b:s6+s3], $0x80, v4, vm0, $0xb8;
	[tilespmem:$0xA080] =	vst v63  }
0x23: {  	_ = 	snop  }
0x24: {  	[tilespmem:s14], [sflag:$0x1] =	stream.indirect_vreg.gather [hbm4b:s2+s3], $0x80, v3, vm0, $0xb8;
	[tilespmem:$0xA080] =	vst v63  }
0x25: {  	_ = 	snop  }
0x26: {  	[tilespmem:s15], [sflag:$0x1] =	stream.indirect_vreg.gather [hbm4b:s4+s3], $0x80, v3, vm0, $0xb8;
	[tilespmem:$0xA080] =	vst v63  }
0x27: {  	_ = 	snop  }
0x28: {  	[tilespmem:s16], [sflag:$0x1] =	stream.indirect_vreg.gather [hbm4b:s5+s3], $0x80, v3, vm0, $0xb8;
	[tilespmem:$0xA080] =	vst v63  }
0x29: {  	_ = 	snop  }
0x2a: {  	[tilespmem:s17], [sflag:$0x1] =	stream.indirect_vreg.gather [hbm4b:s6+s3], $0x80, v3, vm0, $0xb8;
	[tilespmem:$0xA080] =	vst v63  }
0x2b: {  	v3 =	vld [tilespmem:$0x10];
	_ =	sdelay $0x4  }
0x2c: {  	v62 =	vshll.u32 v3, $0x3  }
0x2d: {  	v3 =	vand.u32 $0x7, v3;
	v4 =	vand.u32 $0xFFFFFFC0, v62  }
0x2e: {  	v3 =	vor.u32 v3, v4  }
0x2f: {  	v4 =	vperm.xlane v3, v0;
	_ =	sdelay $0x1  }
0x30: {  	v4 =	vadd.s32 v1, v4;
	_ =	sdelay $0x4  }
0x31: {  	[tilespmem:s18], [sflag:$0x1] =	stream.indirect_vreg.gather [hbm4b:s2+s3], $0x80, v4, vm0, $0xb8;
	[tilespmem:$0xA080] =	vst v63  }
0x32: {  	v3 =	vperm.xlane v3, v2  }
0x33: {  	[tilespmem:s19], [sflag:$0x1] =	stream.indirect_vreg.gather [hbm4b:s4+s3], $0x80, v4, vm0, $0xb8;
	[tilespmem:$0xA080] =	vst v63  }
0x34: {  	v3 =	vadd.s32 v1, v3  }
0x35: {  	[tilespmem:s20], [sflag:$0x1] =	stream.indirect_vreg.gather [hbm4b:s5+s3], $0x80, v4, vm0, $0xb8;
	[tilespmem:$0xA080] =	vst v63  }
0x36: {  	_ = 	snop  }
0x37: {  	[tilespmem:s21], [sflag:$0x1] =	stream.indirect_vreg.gather [hbm4b:s6+s3], $0x80, v4, vm0, $0xb8;
	[tilespmem:$0xA080] =	vst v63  }
0x38: {  	_ = 	snop  }
0x39: {  	[tilespmem:s22], [sflag:$0x1] =	stream.indirect_vreg.gather [hbm4b:s2+s3], $0x80, v3, vm0, $0xb8;
	[tilespmem:$0xA080] =	vst v63  }
0x3a: {  	_ = 	snop  }
0x3b: {  	[tilespmem:s23], [sflag:$0x1] =	stream.indirect_vreg.gather [hbm4b:s4+s3], $0x80, v3, vm0, $0xb8;
	[tilespmem:$0xA080] =	vst v63  }
0x3c: {  	_ = 	snop  }
0x3d: {  	[tilespmem:s24], [sflag:$0x1] =	stream.indirect_vreg.gather [hbm4b:s5+s3], $0x80, v3, vm0, $0xb8;
	[tilespmem:$0xA080] =	vst v63  }
0x3e: {  	_ = 	snop  }
0x3f: {  	[tilespmem:s25], [sflag:$0x1] =	stream.indirect_vreg.gather [hbm4b:s6+s3], $0x80, v3, vm0, $0xb8;
	[tilespmem:$0xA080] =	vst v63  }
0x40: {  	v3 =	vld.msk [tilespmem:$0x20], $0xff;
	_ =	sdelay $0x4  }
0x41: {  	v63 =	vshll.u32 v3, $0x3  }
0x42: {  	v3 =	vand.u32 $0x7, v3;
	v4 =	vand.u32 $0xFFFFFFC0, v63  }
0x43: {  	v3 =	vor.u32 v3, v4  }
0x44: {  	v3 =	vperm.xlane v3, v0;
	_ =	sdelay $0x1  }
0x45: {  	v3 =	vadd.s32 v1, v3;
	_ =	sdelay $0x4  }
0x46: {  	[tilespmem:s26], [sflag:$0x1] =	stream.indirect_vreg.gather [hbm4b:s2+s3], $0x80, v3, vm0, $0xb8;
	[tilespmem:$0xA080] =	vst v63  }
0x47: {  	_ = 	snop  }
0x48: {  	[tilespmem:s28], [sflag:$0x1] =	stream.indirect_vreg.gather [hbm4b:s4+s3], $0x80, v3, vm0, $0xb8;
	[tilespmem:$0xA080] =	vst v63  }
0x49: {  	_ = 	snop  }
0x4a: {  	[tilespmem:s29], [sflag:$0x1] =	stream.indirect_vreg.gather [hbm4b:s5+s3], $0x80, v3, vm0, $0xb8;
	[tilespmem:$0xA080] =	vst v63  }
0x4b: {  	_ = 	snop  }
0x4c: {  	[tilespmem:s30], [sflag:$0x1] =	stream.indirect_vreg.gather [hbm4b:s6+s3], $0x80, v3, vm0, $0xb8;
	[tilespmem:$0xA080] =	vst v63  }
0x4d: {  	_ =	swait.ge [sflag:s31], $0xA000  }
0x4e: {  	p0 =	sne.s32 s8, $0x1;
	[sflag:s31] =	ssyncset.done $0x0  }
.Ltmp0:
0x4f: {  	[sflag:s31] =	ssyncadd.s32 $0xFFFF6000;
	(pc) =	sbr.rel @p0 .LBB2_1-.Ltmp0, $4  }
0x50: {  	[hbm4b:s7+s3] =	stream.linear.scatter [tilespmem:s10], [sflag:$0x2], $0xA000, $0x38;
	[tilespmem:$0xA080] =	vst v63  }
0x51: {  	_ =	swait.ge [sflag:s9], $0xA000  }
0x52: {  	[sflag:s9] =	ssyncset.done $0x0  }
0x53: {  	s8 =	sadd.s32 $0xFFFFFFFF, s8;
	[sflag:s9] =	ssyncadd.s32 $0xFFFF6000  }
0x54: {  	_ =	sfence.sel $0x180000  }
0x55: {  	[bflag:$0x0] =	sbarrier.arrive $0xFFFF  }
0x56: {  	_ =	strace $0x90000047  }
0x57: {  	[bflag:$0x2] =	sbarrier.arrive $0xFFFF  }
0x58: {  	p0 =	sne.s32 s0, $0x0;
	s0 =	rddreg [dreg:$0x2]  }
0x59: {  	s0 =	sadd.s32 @!p0 $0x100000, s0  }
0x5a: {  	[sflag:s0] =	ssyncadd.tile.s32 @!p0 $0x1;
	_ =	shalt  }
.Lfunc_end2:
_tile_overlayer_lowered:
.L_overlay_start_2:
0x5b: {  	(tag) =	ssettag $0x2  }
0x5c: {  	s0 =	rddreg [dreg:$0x0];
	s2 =	stileid.u32  }
0x5d: {  	s1 =	rddreg [dreg:$0x1];
	p0 =	sne.s32 s2, $0x0  }
0x5e: {  	s3 =	rddreg [dreg:$0x2];
	[bflag:$0x3] =	sbarrier.arrive $0xFFFF;
	s2 =	simm.s32 @!p0 $0x1C02  }
0x5f: {  	[timem:s3], [sflag:s2] =	dma.local @!p0 [hbm:s0], s1  }
0x60: {  	s0 =	simm.s32 @!p0 $0x2  }
0x61: {  	_ =	swait.ge @!p0 [sflag:s0], s1  }
0x62: {  	s1 =	ssub.s32 @!p0 $0x0, s1;
	[sflag:s0] =	ssyncset.done @!p0 $0x0  }
0x63: {  	[sflag:s0] =	ssyncadd.s32 @!p0 s1  }
0x64: {  	[bflag:$0x3] =	sbarrier.arrive $0xFFFF  }
0x65: {  	_ =	shalt  }

</sc_bundles>
